<compile_context>
chip_gen: v7x
topology: tpu7x:2x2x1
jax: 0.10.2.dev20260603
libtpu: 0.0.44.dev20260713+nightly
codegen_flags: <defaults>
</compile_context>

<pallas_src>
import jax
import jax.numpy as jnp
from jax import lax
from jax.experimental import pallas as pl
from jax.experimental.pallas import tpu as pltpu
from jax.experimental.pallas import tpu_sc as plsc

N = 10000
E = 320000
F = 128
HID = 128
NUM_CLASSES = 10
NUM_GRAPHS = 64

NC = 2
NS = 16
NW = NC * NS

EDGES_PER_TILE = E // NW
CHUNK = 96
NFULL = EDGES_PER_TILE // CHUNK
REM = EDGES_PER_TILE - NFULL * CHUNK
NP = 10240
ROWS_PER_TILE = NP // NS

NBUF = 3
NBODY = NFULL // NBUF
NTAIL = NFULL - NBODY * NBUF



def _seg_sum_body(h_hbm, src_hbm, dst_hbm, zeros_hbm, out_hbm,
                  src_all, dsts, rows, src_r, dst_r, acc_sh,
                  sems, semds, sem_r):
    c = lax.axis_index("c")
    s = lax.axis_index("s")
    wid = s * NC + c
    edge_base = wid * EDGES_PER_TILE

    r0 = s * ROWS_PER_TILE
    zero_copy = pltpu.async_copy(zeros_hbm.at[pl.ds(r0, ROWS_PER_TILE)],
                                 acc_sh.at[pl.ds(r0, ROWS_PER_TILE)], sem_r)

    pltpu.sync_copy(src_hbm.at[pl.ds(edge_base, EDGES_PER_TILE)], src_all)

    def issue(i, b):
        pltpu.async_copy(dst_hbm.at[pl.ds(edge_base + i * CHUNK, CHUNK)],
                         dsts[b], semds[b])
        pltpu.async_copy(h_hbm.at[src_all.at[pl.ds(i * CHUNK, CHUNK)]],
                         rows[b], sems[b])

    def drain(b):
        pltpu.make_async_copy(h_hbm.at[src_all.at[pl.ds(0, CHUNK)]],
                              rows[b], sems[b]).wait()
        pltpu.make_async_copy(dst_hbm.at[pl.ds(0, CHUNK)], dsts[b],
                              semds[b]).wait()
        pltpu.sync_copy(rows[b], acc_sh.at[dsts[b]], add=True)

    for b in range(NBUF):
        issue(b, b)
    zero_copy.wait()
    plsc.subcore_barrier()

    def body(j, carry):
        i0 = NBUF * j
        for b in range(NBUF):
            drain(b)

            @pl.when(i0 + b + NBUF < NFULL)
            def _():
                issue(i0 + b + NBUF, b)
        return carry

    lax.fori_loop(0, NBODY, body, 0)
    for b in range(NTAIL):
        drain(b)

    base = NFULL * CHUNK
    pltpu.sync_copy(src_hbm.at[pl.ds(edge_base + base, REM)], src_r)
    pltpu.sync_copy(dst_hbm.at[pl.ds(edge_base + base, REM)], dst_r)
    rows_r = rows[0].at[pl.ds(0, REM)]
    pltpu.async_copy(h_hbm.at[src_r], rows_r, sem_r).wait()
    pltpu.sync_copy(rows_r, acc_sh.at[dst_r], add=True)

    plsc.subcore_barrier()
    pltpu.sync_copy(acc_sh.at[pl.ds(r0, ROWS_PER_TILE)],
                    out_hbm.at[c, pl.ds(r0, ROWS_PER_TILE)])


@jax.jit
def _segment_sum_sc(h, src, dst, zeros):
    mesh = plsc.VectorSubcoreMesh(core_axis_name="c", subcore_axis_name="s",
                                  num_cores=NC, num_subcores=NS)
    return pl.kernel(
        _seg_sum_body,
        out_type=jax.ShapeDtypeStruct((NC, NP, F), jnp.float32),
        mesh=mesh,
        scratch_types=[
            pltpu.VMEM((EDGES_PER_TILE,), jnp.int32),
            tuple(pltpu.VMEM((CHUNK,), jnp.int32) for _ in range(NBUF)),
            tuple(pltpu.VMEM((CHUNK, F), jnp.float32) for _ in range(NBUF)),
            pltpu.VMEM((REM,), jnp.int32),
            pltpu.VMEM((REM,), jnp.int32),
            pltpu.VMEM_SHARED((NP, F), jnp.float32),
            tuple(pltpu.SemaphoreType.DMA for _ in range(NBUF)),
            tuple(pltpu.SemaphoreType.DMA for _ in range(NBUF)),
            pltpu.SemaphoreType.DMA,
        ],
    )(h, src, dst, zeros)



def _mlp_body(h_ref, part_ref, eps_ref, w1_ref, b1_ref, w2_ref, b2_ref,
              gamma_ref, beta_ref, out_ref):
    z = ((1.0 + eps_ref[0, 0]) * h_ref[...]
         + part_ref[0, :N, :] + part_ref[1, :N, :])
    a = jnp.dot(z, w1_ref[...], preferred_element_type=jnp.float32)
    a = jnp.maximum(a + b1_ref[...], 0.0)
    a = jnp.dot(a, w2_ref[...], preferred_element_type=jnp.float32)
    a = jnp.maximum(a + b2_ref[...], 0.0)
    mean = jnp.mean(a, axis=0, keepdims=True)
    var = jnp.mean((a - mean) * (a - mean), axis=0, keepdims=True)
    out_ref[...] = ((a - mean) * lax.rsqrt(var + 1e-5) * gamma_ref[...]
                    + beta_ref[...])


@jax.jit
def _mlp_tc(h, part, eps, w1, b1, w2, b2, gamma, beta):
    return pl.pallas_call(
        _mlp_body,
        out_shape=jax.ShapeDtypeStruct((N, HID), jnp.float32),
    )(h, part, eps.reshape(1, 1), w1, b1.reshape(1, HID), w2,
      b2.reshape(1, HID), gamma.reshape(1, HID), beta.reshape(1, HID))



def _head_body(h_ref, batch_ref, w1_ref, b1_ref, w2_ref, b2_ref, out_ref):
    gids = lax.broadcasted_iota(jnp.int32, (N, NUM_GRAPHS), 1)
    oh = (batch_ref[...] == gids).astype(jnp.float32)
    sums = lax.dot_general(oh, h_ref[...], (((0,), (0,)), ((), ())),
                           preferred_element_type=jnp.float32)
    counts = jnp.sum(oh, axis=0, keepdims=True)
    g = sums / jnp.maximum(counts, 1.0).T
    g = jnp.dot(g, w1_ref[...], preferred_element_type=jnp.float32)
    g = jnp.maximum(g + b1_ref[...], 0.0)
    g = jnp.dot(g, w2_ref[...], preferred_element_type=jnp.float32)
    logits = g + b2_ref[...]
    m = jnp.max(logits, axis=-1, keepdims=True)
    lse = m + jnp.log(jnp.sum(jnp.exp(logits - m), axis=-1, keepdims=True))
    out_ref[...] = logits - lse


@jax.jit
def _head_tc(h, batch, w1, b1, w2, b2):
    return pl.pallas_call(
        _head_body,
        out_shape=jax.ShapeDtypeStruct((NUM_GRAPHS, NUM_CLASSES), jnp.float32),
    )(h, batch.reshape(N, 1), w1, b1.reshape(1, HID), w2,
      b2.reshape(1, NUM_CLASSES))


def kernel(x, edge_index, batch, params):
    src = edge_index[0]
    dst = edge_index[1]
    zeros = jnp.zeros((NP, F), jnp.float32)
    h = x
    for l in range(3):
        p = params['conv%d' % l]
        part = _segment_sum_sc(h, src, dst, zeros)
        h = _mlp_tc(h, part, p['eps'], p['W1'], p['b1'], p['W2'], p['b2'],
                    p['gamma'], p['beta'])
    return _head_tc(h, batch, params['lin1']['W'], params['lin1']['b'],
                    params['lin2']['W'], params['lin2']['b'])

# --- scband reference (transcript-rebuilt; emitter-appended) ---
"""Pipeline reference for scband-gin-36816459661880 (READ-ONLY COPY).

The authoritative reference and input builder live on the scoring server;
editing this copy changes nothing except your own understanding.
"""

import jax, jax.numpy as jnp
import numpy as np

N = 10000
E = 320000
F_IN = 128
HID = 128
NUM_CLASSES = 10
NUM_GRAPHS = 64
NUM_LAYERS = 3


def _init_linear(key, din, dout):
    k1, k2 = jax.random.split(key)
    lim = 1.0 / np.sqrt(din)
    W = jax.random.uniform(k1, (din, dout), jnp.float32, -lim, lim)
    b = jax.random.uniform(k2, (dout,), jnp.float32, -lim, lim)
    return W, b


def setup_inputs(seed: int = 0) -> dict:
    key = jax.random.key(seed)
    ks = jax.random.split(key, 16)
    x = jax.random.normal(ks[0], (N, F_IN), dtype=jnp.float32)
    edge_index = jax.random.randint(ks[1], (2, E), 0, N)
    batch = jnp.sort(jax.random.randint(ks[2], (N,), 0, NUM_GRAPHS))
    params = {}
    dims = [F_IN] + [HID] * NUM_LAYERS
    for l in range(NUM_LAYERS):
        kk = jax.random.fold_in(ks[3], l)
        k1, k2 = jax.random.split(kk)
        W1, b1 = _init_linear(k1, dims[l], HID)
        W2, b2 = _init_linear(k2, HID, HID)
        params['conv%d' % l] = {
            'eps': jnp.zeros((), jnp.float32),
            'W1': W1, 'b1': b1, 'W2': W2, 'b2': b2,
            'gamma': jnp.ones((HID,), jnp.float32),
            'beta': jnp.zeros((HID,), jnp.float32),
        }
    W, b = _init_linear(ks[4], HID, HID)
    params['lin1'] = {'W': W, 'b': b}
    W, b = _init_linear(ks[5], HID, NUM_CLASSES)
    params['lin2'] = {'W': W, 'b': b}
    return {'x': x, 'edge_index': edge_index, 'batch': batch, 'params': params}


def _mlp(p, h):
    h = jnp.maximum(h @ p['W1'] + p['b1'], 0.0)
    h = jnp.maximum(h @ p['W2'] + p['b2'], 0.0)
    mean = jnp.mean(h, axis=0)
    var = jnp.var(h, axis=0)
    return (h - mean) / jnp.sqrt(var + 1e-5) * p['gamma'] + p['beta']


def _forward(x, params, edge_index, batch):
    src = edge_index[0]
    dst = edge_index[1]
    h = x
    for l in range(NUM_LAYERS):
        p = params['conv%d' % l]
        agg = jax.ops.segment_sum(h[src], dst, num_segments=N)
        h = _mlp(p, (1.0 + p['eps']) * h + agg)
    sums = jax.ops.segment_sum(h, batch, num_segments=NUM_GRAPHS)
    counts = jax.ops.segment_sum(jnp.ones((N,), jnp.float32), batch, num_segments=NUM_GRAPHS)
    g = sums / jnp.clip(counts, 1.0)[:, None]
    g = jnp.maximum(g @ params['lin1']['W'] + params['lin1']['b'], 0.0)
    g = g @ params['lin2']['W'] + params['lin2']['b']
    return jax.nn.log_softmax(g, axis=-1)


def reference(x, edge_index, batch, params):
    return _forward(x, params, edge_index, batch)

if __name__ == "__main__":
    import jax
    _d = setup_inputs()
    print(jax.jit(kernel)(*tuple(_d.values())))

</pallas_src>

<mosaic_0001>
#map = affine_map<(d0, d1) -> (0, 0)>
#map1 = affine_map<(d0, d1) -> (0)>
#map2 = affine_map<(d0, d1) -> (0, 0, 0)>
module attributes {stable_mosaic.version = 14 : i64} {
  func.func @_seg_sum_body(%arg0: i32, %arg1: i32, %arg2: memref<10000x128xf32, #tpu.memory_space<hbm>>, %arg3: memref<320000xi32, #tpu.memory_space<hbm>>, %arg4: memref<320000xi32, #tpu.memory_space<hbm>>, %arg5: memref<10240x128xf32, #tpu.memory_space<hbm>>, %arg6: memref<2x10240x128xf32, #tpu.memory_space<hbm>>, %arg7: memref<10000xi32, #tpu.memory_space<vmem>>, %arg8: memref<96xi32, #tpu.memory_space<vmem>>, %arg9: memref<96xi32, #tpu.memory_space<vmem>>, %arg10: memref<96xi32, #tpu.memory_space<vmem>>, %arg11: memref<96x128xf32, #tpu.memory_space<vmem>>, %arg12: memref<96x128xf32, #tpu.memory_space<vmem>>, %arg13: memref<96x128xf32, #tpu.memory_space<vmem>>, %arg14: memref<16xi32, #tpu.memory_space<vmem>>, %arg15: memref<16xi32, #tpu.memory_space<vmem>>, %arg16: memref<10240x128xf32, #tpu.memory_space<vmem_shared>>, %arg17: memref<!tpu.dma_semaphore, #tpu.memory_space<semaphore_mem>>, %arg18: memref<!tpu.dma_semaphore, #tpu.memory_space<semaphore_mem>>, %arg19: memref<!tpu.dma_semaphore, #tpu.memory_space<semaphore_mem>>, %arg20: memref<!tpu.dma_semaphore, #tpu.memory_space<semaphore_mem>>, %arg21: memref<!tpu.dma_semaphore, #tpu.memory_space<semaphore_mem>>, %arg22: memref<!tpu.dma_semaphore, #tpu.memory_space<semaphore_mem>>, %arg23: memref<!tpu.dma_semaphore, #tpu.memory_space<semaphore_mem>>) attributes {dimension_semantics = [#tpu.dimension_semantics<core_parallel>, #tpu.dimension_semantics<subcore_parallel>], iteration_bounds = array<i64: 2, 16>, scalar_prefetch = 0 : i64, scratch_operands = 17 : i64, tpu.core_type = #tpu.core_type<sc_vector_subcore>, window_params = [{transform_indices = #map}, {transform_indices = #map1}, {transform_indices = #map1}, {transform_indices = #map}, {transform_indices = #map2}]} {
    %mul3A = arith.constant 2 : i32
    %mul3A_0 = arith.muli %arg1, %mul3A : i32
    %add3A = arith.addi %mul3A_0, %arg0 : i32
    %mul3A_1 = arith.constant 10000 : i32
    %mul3A_2 = arith.muli %add3A, %mul3A_1 : i32
    %mul3A_3 = arith.constant 640 : i32
    %mul3A_4 = arith.muli %arg1, %mul3A_3 : i32
    %dma_start3A = arith.constant 0 : i32
    %dma_start3A_5 = tpu.memref_slice %arg16[%mul3A_4, %dma_start3A] : memref<10240x128xf32, #tpu.memory_space<vmem_shared>> -> memref<640x128xf32, #tpu.memory_space<vmem_shared>>
    %dma_start3A_6 = arith.constant 0 : i32
    %dma_start3A_7 = tpu.memref_slice %arg5[%mul3A_4, %dma_start3A_6] : memref<10240x128xf32, #tpu.memory_space<hbm>> -> memref<640x128xf32, #tpu.memory_space<hbm>>
    tpu.enqueue_dma source(%dma_start3A_7 : memref<640x128xf32, #tpu.memory_space<hbm>>) target(%dma_start3A_5 : memref<640x128xf32, #tpu.memory_space<vmem_shared>>) target_semaphore(%arg23 : memref<!tpu.dma_semaphore, #tpu.memory_space<semaphore_mem>>)
    "tpu.region"() ({
      %run_scoped3A = tpu.sem_alloc : memref<!tpu.dma_semaphore, #tpu.memory_space<semaphore_mem>>
      %dma_start3A_78 = tpu.memref_slice %arg3[%mul3A_2] : memref<320000xi32, #tpu.memory_space<hbm>> -> memref<10000xi32, #tpu.memory_space<hbm>>
      %dma_start3A_79 = tpu.memref_slice %arg3[%mul3A_2] : memref<320000xi32, #tpu.memory_space<hbm>> -> memref<10000xi32, #tpu.memory_space<hbm>>
      tpu.enqueue_dma source(%dma_start3A_79 : memref<10000xi32, #tpu.memory_space<hbm>>) target(%arg7 : memref<10000xi32, #tpu.memory_space<vmem>>) target_semaphore(%run_scoped3A : memref<!tpu.dma_semaphore, #tpu.memory_space<semaphore_mem>>)
      %dma_wait3A_80 = tpu.memref_slice %arg3[%mul3A_2] : memref<320000xi32, #tpu.memory_space<hbm>> -> memref<10000xi32, #tpu.memory_space<hbm>>
      %dma_wait3A_81 = tpu.memref_slice %arg3[%mul3A_2] : memref<320000xi32, #tpu.memory_space<hbm>> -> memref<10000xi32, #tpu.memory_space<hbm>>
      tpu.wait_dma2 semaphore(%run_scoped3A : memref<!tpu.dma_semaphore, #tpu.memory_space<semaphore_mem>>) src(%dma_wait3A_81 : memref<10000xi32, #tpu.memory_space<hbm>>) dst(%arg7 : memref<10000xi32, #tpu.memory_space<vmem>>)
      tpu.yield
    }) : () -> ()
    %add3A_8 = arith.constant 0 : i32
    %add3A_9 = arith.addi %mul3A_2, %add3A_8 : i32
    %dma_start3A_10 = tpu.memref_slice %arg4[%add3A_9] : memref<320000xi32, #tpu.memory_space<hbm>> -> memref<96xi32, #tpu.memory_space<hbm>>
    %dma_start3A_11 = tpu.memref_slice %arg4[%add3A_9] : memref<320000xi32, #tpu.memory_space<hbm>> -> memref<96xi32, #tpu.memory_space<hbm>>
    tpu.enqueue_dma source(%dma_start3A_11 : memref<96xi32, #tpu.memory_space<hbm>>) target(%arg8 : memref<96xi32, #tpu.memory_space<vmem>>) target_semaphore(%arg20 : memref<!tpu.dma_semaphore, #tpu.memory_space<semaphore_mem>>)
    %dma_start3A_12 = arith.constant 0 : i32
    %dma_start3A_13 = tpu.memref_slice %arg7[%dma_start3A_12] : memref<10000xi32, #tpu.memory_space<vmem>> -> memref<96xi32, #tpu.memory_space<vmem>>
    %dma_start3A_14 = arith.constant 0 : i32
    %dma_start3A_15 = arith.constant 0 : i32
    %dma_start3A_16 = tpu.memref_slice %arg2[%dma_start3A_14, %dma_start3A_15] : memref<10000x128xf32, #tpu.memory_space<hbm>> -> memref<10000x128xf32, #tpu.memory_space<hbm>>
    tpu.enqueue_indirect_dma source(%dma_start3A_16 : memref<10000x128xf32, #tpu.memory_space<hbm>>) target(%arg11 : memref<96x128xf32, #tpu.memory_space<vmem>>) offsets(%dma_start3A_13 : memref<96xi32, #tpu.memory_space<vmem>>) semaphore(%arg17 : memref<!tpu.dma_semaphore, #tpu.memory_space<semaphore_mem>>)
    %add3A_17 = arith.constant 96 : i32
    %add3A_18 = arith.addi %mul3A_2, %add3A_17 : i32
    %dma_start3A_19 = tpu.memref_slice %arg4[%add3A_18] : memref<320000xi32, #tpu.memory_space<hbm>> -> memref<96xi32, #tpu.memory_space<hbm>>
    %dma_start3A_20 = tpu.memref_slice %arg4[%add3A_18] : memref<320000xi32, #tpu.memory_space<hbm>> -> memref<96xi32, #tpu.memory_space<hbm>>
    tpu.enqueue_dma source(%dma_start3A_20 : memref<96xi32, #tpu.memory_space<hbm>>) target(%arg9 : memref<96xi32, #tpu.memory_space<vmem>>) target_semaphore(%arg21 : memref<!tpu.dma_semaphore, #tpu.memory_space<semaphore_mem>>)
    %dma_start3A_21 = arith.constant 96 : i32
    %dma_start3A_22 = tpu.memref_slice %arg7[%dma_start3A_21] : memref<10000xi32, #tpu.memory_space<vmem>> -> memref<96xi32, #tpu.memory_space<vmem>>
    %dma_start3A_23 = arith.constant 0 : i32
    %dma_start3A_24 = arith.constant 0 : i32
    %dma_start3A_25 = tpu.memref_slice %arg2[%dma_start3A_23, %dma_start3A_24] : memref<10000x128xf32, #tpu.memory_space<hbm>> -> memref<10000x128xf32, #tpu.memory_space<hbm>>
    tpu.enqueue_indirect_dma source(%dma_start3A_25 : memref<10000x128xf32, #tpu.memory_space<hbm>>) target(%arg12 : memref<96x128xf32, #tpu.memory_space<vmem>>) offsets(%dma_start3A_22 : memref<96xi32, #tpu.memory_space<vmem>>) semaphore(%arg18 : memref<!tpu.dma_semaphore, #tpu.memory_space<semaphore_mem>>)
    %add3A_26 = arith.constant 192 : i32
    %add3A_27 = arith.addi %mul3A_2, %add3A_26 : i32
    %dma_start3A_28 = tpu.memref_slice %arg4[%add3A_27] : memref<320000xi32, #tpu.memory_space<hbm>> -> memref<96xi32, #tpu.memory_space<hbm>>
    %dma_start3A_29 = tpu.memref_slice %arg4[%add3A_27] : memref<320000xi32, #tpu.memory_space<hbm>> -> memref<96xi32, #tpu.memory_space<hbm>>
    tpu.enqueue_dma source(%dma_start3A_29 : memref<96xi32, #tpu.memory_space<hbm>>) target(%arg10 : memref<96xi32, #tpu.memory_space<vmem>>) target_semaphore(%arg22 : memref<!tpu.dma_semaphore, #tpu.memory_space<semaphore_mem>>)
    %dma_start3A_30 = arith.constant 192 : i32
    %dma_start3A_31 = tpu.memref_slice %arg7[%dma_start3A_30] : memref<10000xi32, #tpu.memory_space<vmem>> -> memref<96xi32, #tpu.memory_space<vmem>>
    %dma_start3A_32 = arith.constant 0 : i32
    %dma_start3A_33 = arith.constant 0 : i32
    %dma_start3A_34 = tpu.memref_slice %arg2[%dma_start3A_32, %dma_start3A_33] : memref<10000x128xf32, #tpu.memory_space<hbm>> -> memref<10000x128xf32, #tpu.memory_space<hbm>>
    tpu.enqueue_indirect_dma source(%dma_start3A_34 : memref<10000x128xf32, #tpu.memory_space<hbm>>) target(%arg13 : memref<96x128xf32, #tpu.memory_space<vmem>>) offsets(%dma_start3A_31 : memref<96xi32, #tpu.memory_space<vmem>>) semaphore(%arg19 : memref<!tpu.dma_semaphore, #tpu.memory_space<semaphore_mem>>)
    %dma_wait3A = arith.constant 0 : i32
    %dma_wait3A_35 = tpu.memref_slice %arg16[%mul3A_4, %dma_wait3A] : memref<10240x128xf32, #tpu.memory_space<vmem_shared>> -> memref<640x128xf32, #tpu.memory_space<vmem_shared>>
    %dma_wait3A_36 = arith.constant 0 : i32
    %dma_wait3A_37 = tpu.memref_slice %arg5[%mul3A_4, %dma_wait3A_36] : memref<10240x128xf32, #tpu.memory_space<hbm>> -> memref<640x128xf32, #tpu.memory_space<hbm>>
    tpu.wait_dma2 semaphore(%arg23 : memref<!tpu.dma_semaphore, #tpu.memory_space<semaphore_mem>>) src(%dma_wait3A_37 : memref<640x128xf32, #tpu.memory_space<hbm>>) dst(%dma_wait3A_35 : memref<640x128xf32, #tpu.memory_space<vmem_shared>>)
    %barrier3A = arith.constant 0 : index
    tpu.barrier barrier_id(%barrier3A)
    %scan3A = arith.constant 0 : i32
    %scan3A_38 = arith.constant 0 : i32
    %scan3A_39 = arith.constant 34 : i32
    %scan3A_40 = arith.addi %scan3A_38, %scan3A_39 : i32
    %scan3A_41 = arith.constant 1 : i32
    scf.for %scan3A_78 = %scan3A_38 to %scan3A_40 step %scan3A_41  : i32 {
      %mul3A_79 = arith.constant 3 : i32
      %mul3A_80 = arith.muli %mul3A_79, %scan3A_78 : i32
      %dma_wait3A_81 = arith.constant 0 : i32
      %dma_wait3A_82 = tpu.memref_slice %arg7[%dma_wait3A_81] : memref<10000xi32, #tpu.memory_space<vmem>> -> memref<96xi32, #tpu.memory_space<vmem>>
      %dma_wait3A_83 = arith.constant 0 : i32
      %dma_wait3A_84 = arith.constant 0 : i32
      %dma_wait3A_85 = tpu.memref_slice %arg2[%dma_wait3A_83, %dma_wait3A_84] : memref<10000x128xf32, #tpu.memory_space<hbm>> -> memref<10000x128xf32, #tpu.memory_space<hbm>>
      tpu.wait_indirect_dma semaphore(%arg17 : memref<!tpu.dma_semaphore, #tpu.memory_space<semaphore_mem>>) src(%dma_wait3A_85 : memref<10000x128xf32, #tpu.memory_space<hbm>>) dst(%arg11 : memref<96x128xf32, #tpu.memory_space<vmem>>)
      %dma_wait3A_86 = arith.constant 0 : i32
      %dma_wait3A_87 = tpu.memref_slice %arg4[%dma_wait3A_86] : memref<320000xi32, #tpu.memory_space<hbm>> -> memref<96xi32, #tpu.memory_space<hbm>>
      %dma_wait3A_88 = arith.constant 0 : i32
      %dma_wait3A_89 = tpu.memref_slice %arg4[%dma_wait3A_88] : memref<320000xi32, #tpu.memory_space<hbm>> -> memref<96xi32, #tpu.memory_space<hbm>>
      tpu.wait_dma2 semaphore(%arg20 : memref<!tpu.dma_semaphore, #tpu.memory_space<semaphore_mem>>) src(%dma_wait3A_89 : memref<96xi32, #tpu.memory_space<hbm>>) dst(%arg8 : memref<96xi32, #tpu.memory_space<vmem>>)
      "tpu.region"() ({
        %run_scoped3A = tpu.sem_alloc : memref<!tpu.dma_semaphore, #tpu.memory_space<semaphore_mem>>
        %dma_start3A_132 = arith.constant 0 : i32
        %dma_start3A_133 = arith.constant 0 : i32
        %dma_start3A_134 = tpu.memref_slice %arg16[%dma_start3A_132, %dma_start3A_133] : memref<10240x128xf32, #tpu.memory_space<vmem_shared>> -> memref<10240x128xf32, #tpu.memory_space<vmem_shared>>
        tpu.enqueue_indirect_dma source(%arg11 : memref<96x128xf32, #tpu.memory_space<vmem>>) target(%dma_start3A_134 : memref<10240x128xf32, #tpu.memory_space<vmem_shared>>) offsets(%arg8 : memref<96xi32, #tpu.memory_space<vmem>>) semaphore(%run_scoped3A : memref<!tpu.dma_semaphore, #tpu.memory_space<semaphore_mem>>) {add = true}
        %dma_wait3A_135 = arith.constant 0 : i32
        %dma_wait3A_136 = arith.constant 0 : i32
        %dma_wait3A_137 = tpu.memref_slice %arg16[%dma_wait3A_135, %dma_wait3A_136] : memref<10240x128xf32, #tpu.memory_space<vmem_shared>> -> memref<10240x128xf32, #tpu.memory_space<vmem_shared>>
        tpu.wait_indirect_dma semaphore(%run_scoped3A : memref<!tpu.dma_semaphore, #tpu.memory_space<semaphore_mem>>) src(%arg11 : memref<96x128xf32, #tpu.memory_space<vmem>>) dst(%dma_wait3A_137 : memref<10240x128xf32, #tpu.memory_space<vmem_shared>>)
        tpu.yield
      }) : () -> ()
      %add3A_90 = arith.constant 0 : i32
      %add3A_91 = arith.addi %mul3A_80, %add3A_90 : i32
      %add3A_92 = arith.constant 3 : i32
      %add3A_93 = arith.addi %add3A_91, %add3A_92 : i32
      %lt3A = arith.constant 104 : i32
      %lt3A_94 = arith.cmpi slt, %add3A_93, %lt3A : i32
      %convert_element_type3A = arith.extui %lt3A_94 : i1 to i32
      %cond3A = arith.constant 0 : i32
      %cond3A_95 = arith.cmpi ne, %convert_element_type3A, %cond3A : i32
      scf.if %cond3A_95 {
        %add3A_132 = arith.constant 0 : i32
        %add3A_133 = arith.addi %mul3A_80, %add3A_132 : i32
        %add3A_134 = arith.constant 3 : i32
        %add3A_135 = arith.addi %add3A_133, %add3A_134 : i32
        %mul3A_136 = arith.constant 96 : i32
        %mul3A_137 = arith.muli %add3A_135, %mul3A_136 : i32
        %add3A_138 = arith.addi %mul3A_2, %mul3A_137 : i32
        %dma_start3A_139 = tpu.memref_slice %arg4[%add3A_138] : memref<320000xi32, #tpu.memory_space<hbm>> -> memref<96xi32, #tpu.memory_space<hbm>>
        %dma_start3A_140 = tpu.memref_slice %arg4[%add3A_138] : memref<320000xi32, #tpu.memory_space<hbm>> -> memref<96xi32, #tpu.memory_space<hbm>>
        tpu.enqueue_dma source(%dma_start3A_140 : memref<96xi32, #tpu.memory_space<hbm>>) target(%arg8 : memref<96xi32, #tpu.memory_space<vmem>>) target_semaphore(%arg20 : memref<!tpu.dma_semaphore, #tpu.memory_space<semaphore_mem>>)
        %mul3A_141 = arith.constant 96 : i32
        %mul3A_142 = arith.muli %add3A_135, %mul3A_141 : i32
        %dma_start3A_143 = tpu.memref_slice %arg7[%mul3A_142] : memref<10000xi32, #tpu.memory_space<vmem>> -> memref<96xi32, #tpu.memory_space<vmem>>
        %dma_start3A_144 = arith.constant 0 : i32
        %dma_start3A_145 = arith.constant 0 : i32
        %dma_start3A_146 = tpu.memref_slice %arg2[%dma_start3A_144, %dma_start3A_145] : memref<10000x128xf32, #tpu.memory_space<hbm>> -> memref<10000x128xf32, #tpu.memory_space<hbm>>
        tpu.enqueue_indirect_dma source(%dma_start3A_146 : memref<10000x128xf32, #tpu.memory_space<hbm>>) target(%arg11 : memref<96x128xf32, #tpu.memory_space<vmem>>) offsets(%dma_start3A_143 : memref<96xi32, #tpu.memory_space<vmem>>) semaphore(%arg17 : memref<!tpu.dma_semaphore, #tpu.memory_space<semaphore_mem>>)
      } else {
      }
      %dma_wait3A_96 = arith.constant 0 : i32
      %dma_wait3A_97 = tpu.memref_slice %arg7[%dma_wait3A_96] : memref<10000xi32, #tpu.memory_space<vmem>> -> memref<96xi32, #tpu.memory_space<vmem>>
      %dma_wait3A_98 = arith.constant 0 : i32
      %dma_wait3A_99 = arith.constant 0 : i32
      %dma_wait3A_100 = tpu.memref_slice %arg2[%dma_wait3A_98, %dma_wait3A_99] : memref<10000x128xf32, #tpu.memory_space<hbm>> -> memref<10000x128xf32, #tpu.memory_space<hbm>>
      tpu.wait_indirect_dma semaphore(%arg18 : memref<!tpu.dma_semaphore, #tpu.memory_space<semaphore_mem>>) src(%dma_wait3A_100 : memref<10000x128xf32, #tpu.memory_space<hbm>>) dst(%arg12 : memref<96x128xf32, #tpu.memory_space<vmem>>)
      %dma_wait3A_101 = arith.constant 0 : i32
      %dma_wait3A_102 = tpu.memref_slice %arg4[%dma_wait3A_101] : memref<320000xi32, #tpu.memory_space<hbm>> -> memref<96xi32, #tpu.memory_space<hbm>>
      %dma_wait3A_103 = arith.constant 0 : i32
      %dma_wait3A_104 = tpu.memref_slice %arg4[%dma_wait3A_103] : memref<320000xi32, #tpu.memory_space<hbm>> -> memref<96xi32, #tpu.memory_space<hbm>>
      tpu.wait_dma2 semaphore(%arg21 : memref<!tpu.dma_semaphore, #tpu.memory_space<semaphore_mem>>) src(%dma_wait3A_104 : memref<96xi32, #tpu.memory_space<hbm>>) dst(%arg9 : memref<96xi32, #tpu.memory_space<vmem>>)
      "tpu.region"() ({
        %run_scoped3A = tpu.sem_alloc : memref<!tpu.dma_semaphore, #tpu.memory_space<semaphore_mem>>
        %dma_start3A_132 = arith.constant 0 : i32
        %dma_start3A_133 = arith.constant 0 : i32
        %dma_start3A_134 = tpu.memref_slice %arg16[%dma_start3A_132, %dma_start3A_133] : memref<10240x128xf32, #tpu.memory_space<vmem_shared>> -> memref<10240x128xf32, #tpu.memory_space<vmem_shared>>
        tpu.enqueue_indirect_dma source(%arg12 : memref<96x128xf32, #tpu.memory_space<vmem>>) target(%dma_start3A_134 : memref<10240x128xf32, #tpu.memory_space<vmem_shared>>) offsets(%arg9 : memref<96xi32, #tpu.memory_space<vmem>>) semaphore(%run_scoped3A : memref<!tpu.dma_semaphore, #tpu.memory_space<semaphore_mem>>) {add = true}
        %dma_wait3A_135 = arith.constant 0 : i32
        %dma_wait3A_136 = arith.constant 0 : i32
        %dma_wait3A_137 = tpu.memref_slice %arg16[%dma_wait3A_135, %dma_wait3A_136] : memref<10240x128xf32, #tpu.memory_space<vmem_shared>> -> memref<10240x128xf32, #tpu.memory_space<vmem_shared>>
        tpu.wait_indirect_dma semaphore(%run_scoped3A : memref<!tpu.dma_semaphore, #tpu.memory_space<semaphore_mem>>) src(%arg12 : memref<96x128xf32, #tpu.memory_space<vmem>>) dst(%dma_wait3A_137 : memref<10240x128xf32, #tpu.memory_space<vmem_shared>>)
        tpu.yield
      }) : () -> ()
      %add3A_105 = arith.constant 1 : i32
      %add3A_106 = arith.addi %mul3A_80, %add3A_105 : i32
      %add3A_107 = arith.constant 3 : i32
      %add3A_108 = arith.addi %add3A_106, %add3A_107 : i32
      %lt3A_109 = arith.constant 104 : i32
      %lt3A_110 = arith.cmpi slt, %add3A_108, %lt3A_109 : i32
      %convert_element_type3A_111 = arith.extui %lt3A_110 : i1 to i32
      %cond3A_112 = arith.constant 0 : i32
      %cond3A_113 = arith.cmpi ne, %convert_element_type3A_111, %cond3A_112 : i32
      scf.if %cond3A_113 {
        %add3A_132 = arith.constant 1 : i32
        %add3A_133 = arith.addi %mul3A_80, %add3A_132 : i32
        %add3A_134 = arith.constant 3 : i32
        %add3A_135 = arith.addi %add3A_133, %add3A_134 : i32
        %mul3A_136 = arith.constant 96 : i32
        %mul3A_137 = arith.muli %add3A_135, %mul3A_136 : i32
        %add3A_138 = arith.addi %mul3A_2, %mul3A_137 : i32
        %dma_start3A_139 = tpu.memref_slice %arg4[%add3A_138] : memref<320000xi32, #tpu.memory_space<hbm>> -> memref<96xi32, #tpu.memory_space<hbm>>
        %dma_start3A_140 = tpu.memref_slice %arg4[%add3A_138] : memref<320000xi32, #tpu.memory_space<hbm>> -> memref<96xi32, #tpu.memory_space<hbm>>
        tpu.enqueue_dma source(%dma_start3A_140 : memref<96xi32, #tpu.memory_space<hbm>>) target(%arg9 : memref<96xi32, #tpu.memory_space<vmem>>) target_semaphore(%arg21 : memref<!tpu.dma_semaphore, #tpu.memory_space<semaphore_mem>>)
        %mul3A_141 = arith.constant 96 : i32
        %mul3A_142 = arith.muli %add3A_135, %mul3A_141 : i32
        %dma_start3A_143 = tpu.memref_slice %arg7[%mul3A_142] : memref<10000xi32, #tpu.memory_space<vmem>> -> memref<96xi32, #tpu.memory_space<vmem>>
        %dma_start3A_144 = arith.constant 0 : i32
        %dma_start3A_145 = arith.constant 0 : i32
        %dma_start3A_146 = tpu.memref_slice %arg2[%dma_start3A_144, %dma_start3A_145] : memref<10000x128xf32, #tpu.memory_space<hbm>> -> memref<10000x128xf32, #tpu.memory_space<hbm>>
        tpu.enqueue_indirect_dma source(%dma_start3A_146 : memref<10000x128xf32, #tpu.memory_space<hbm>>) target(%arg12 : memref<96x128xf32, #tpu.memory_space<vmem>>) offsets(%dma_start3A_143 : memref<96xi32, #tpu.memory_space<vmem>>) semaphore(%arg18 : memref<!tpu.dma_semaphore, #tpu.memory_space<semaphore_mem>>)
      } else {
      }
      %dma_wait3A_114 = arith.constant 0 : i32
      %dma_wait3A_115 = tpu.memref_slice %arg7[%dma_wait3A_114] : memref<10000xi32, #tpu.memory_space<vmem>> -> memref<96xi32, #tpu.memory_space<vmem>>
      %dma_wait3A_116 = arith.constant 0 : i32
      %dma_wait3A_117 = arith.constant 0 : i32
      %dma_wait3A_118 = tpu.memref_slice %arg2[%dma_wait3A_116, %dma_wait3A_117] : memref<10000x128xf32, #tpu.memory_space<hbm>> -> memref<10000x128xf32, #tpu.memory_space<hbm>>
      tpu.wait_indirect_dma semaphore(%arg19 : memref<!tpu.dma_semaphore, #tpu.memory_space<semaphore_mem>>) src(%dma_wait3A_118 : memref<10000x128xf32, #tpu.memory_space<hbm>>) dst(%arg13 : memref<96x128xf32, #tpu.memory_space<vmem>>)
      %dma_wait3A_119 = arith.constant 0 : i32
      %dma_wait3A_120 = tpu.memref_slice %arg4[%dma_wait3A_119] : memref<320000xi32, #tpu.memory_space<hbm>> -> memref<96xi32, #tpu.memory_space<hbm>>
      %dma_wait3A_121 = arith.constant 0 : i32
      %dma_wait3A_122 = tpu.memref_slice %arg4[%dma_wait3A_121] : memref<320000xi32, #tpu.memory_space<hbm>> -> memref<96xi32, #tpu.memory_space<hbm>>
      tpu.wait_dma2 semaphore(%arg22 : memref<!tpu.dma_semaphore, #tpu.memory_space<semaphore_mem>>) src(%dma_wait3A_122 : memref<96xi32, #tpu.memory_space<hbm>>) dst(%arg10 : memref<96xi32, #tpu.memory_space<vmem>>)
      "tpu.region"() ({
        %run_scoped3A = tpu.sem_alloc : memref<!tpu.dma_semaphore, #tpu.memory_space<semaphore_mem>>
        %dma_start3A_132 = arith.constant 0 : i32
        %dma_start3A_133 = arith.constant 0 : i32
        %dma_start3A_134 = tpu.memref_slice %arg16[%dma_start3A_132, %dma_start3A_133] : memref<10240x128xf32, #tpu.memory_space<vmem_shared>> -> memref<10240x128xf32, #tpu.memory_space<vmem_shared>>
        tpu.enqueue_indirect_dma source(%arg13 : memref<96x128xf32, #tpu.memory_space<vmem>>) target(%dma_start3A_134 : memref<10240x128xf32, #tpu.memory_space<vmem_shared>>) offsets(%arg10 : memref<96xi32, #tpu.memory_space<vmem>>) semaphore(%run_scoped3A : memref<!tpu.dma_semaphore, #tpu.memory_space<semaphore_mem>>) {add = true}
        %dma_wait3A_135 = arith.constant 0 : i32
        %dma_wait3A_136 = arith.constant 0 : i32
        %dma_wait3A_137 = tpu.memref_slice %arg16[%dma_wait3A_135, %dma_wait3A_136] : memref<10240x128xf32, #tpu.memory_space<vmem_shared>> -> memref<10240x128xf32, #tpu.memory_space<vmem_shared>>
        tpu.wait_indirect_dma semaphore(%run_scoped3A : memref<!tpu.dma_semaphore, #tpu.memory_space<semaphore_mem>>) src(%arg13 : memref<96x128xf32, #tpu.memory_space<vmem>>) dst(%dma_wait3A_137 : memref<10240x128xf32, #tpu.memory_space<vmem_shared>>)
        tpu.yield
      }) : () -> ()
      %add3A_123 = arith.constant 2 : i32
      %add3A_124 = arith.addi %mul3A_80, %add3A_123 : i32
      %add3A_125 = arith.constant 3 : i32
      %add3A_126 = arith.addi %add3A_124, %add3A_125 : i32
      %lt3A_127 = arith.constant 104 : i32
      %lt3A_128 = arith.cmpi slt, %add3A_126, %lt3A_127 : i32
      %convert_element_type3A_129 = arith.extui %lt3A_128 : i1 to i32
      %cond3A_130 = arith.constant 0 : i32
      %cond3A_131 = arith.cmpi ne, %convert_element_type3A_129, %cond3A_130 : i32
      scf.if %cond3A_131 {
        %add3A_132 = arith.constant 2 : i32
        %add3A_133 = arith.addi %mul3A_80, %add3A_132 : i32
        %add3A_134 = arith.constant 3 : i32
        %add3A_135 = arith.addi %add3A_133, %add3A_134 : i32
        %mul3A_136 = arith.constant 96 : i32
        %mul3A_137 = arith.muli %add3A_135, %mul3A_136 : i32
        %add3A_138 = arith.addi %mul3A_2, %mul3A_137 : i32
        %dma_start3A_139 = tpu.memref_slice %arg4[%add3A_138] : memref<320000xi32, #tpu.memory_space<hbm>> -> memref<96xi32, #tpu.memory_space<hbm>>
        %dma_start3A_140 = tpu.memref_slice %arg4[%add3A_138] : memref<320000xi32, #tpu.memory_space<hbm>> -> memref<96xi32, #tpu.memory_space<hbm>>
        tpu.enqueue_dma source(%dma_start3A_140 : memref<96xi32, #tpu.memory_space<hbm>>) target(%arg10 : memref<96xi32, #tpu.memory_space<vmem>>) target_semaphore(%arg22 : memref<!tpu.dma_semaphore, #tpu.memory_space<semaphore_mem>>)
        %mul3A_141 = arith.constant 96 : i32
        %mul3A_142 = arith.muli %add3A_135, %mul3A_141 : i32
        %dma_start3A_143 = tpu.memref_slice %arg7[%mul3A_142] : memref<10000xi32, #tpu.memory_space<vmem>> -> memref<96xi32, #tpu.memory_space<vmem>>
        %dma_start3A_144 = arith.constant 0 : i32
        %dma_start3A_145 = arith.constant 0 : i32
        %dma_start3A_146 = tpu.memref_slice %arg2[%dma_start3A_144, %dma_start3A_145] : memref<10000x128xf32, #tpu.memory_space<hbm>> -> memref<10000x128xf32, #tpu.memory_space<hbm>>
        tpu.enqueue_indirect_dma source(%dma_start3A_146 : memref<10000x128xf32, #tpu.memory_space<hbm>>) target(%arg13 : memref<96x128xf32, #tpu.memory_space<vmem>>) offsets(%dma_start3A_143 : memref<96xi32, #tpu.memory_space<vmem>>) semaphore(%arg19 : memref<!tpu.dma_semaphore, #tpu.memory_space<semaphore_mem>>)
      } else {
      }
    }
    %scan3A_42 = arith.constant 34 : i32
    %dma_wait3A_43 = arith.constant 0 : i32
    %dma_wait3A_44 = tpu.memref_slice %arg7[%dma_wait3A_43] : memref<10000xi32, #tpu.memory_space<vmem>> -> memref<96xi32, #tpu.memory_space<vmem>>
    %dma_wait3A_45 = arith.constant 0 : i32
    %dma_wait3A_46 = arith.constant 0 : i32
    %dma_wait3A_47 = tpu.memref_slice %arg2[%dma_wait3A_45, %dma_wait3A_46] : memref<10000x128xf32, #tpu.memory_space<hbm>> -> memref<10000x128xf32, #tpu.memory_space<hbm>>
    tpu.wait_indirect_dma semaphore(%arg17 : memref<!tpu.dma_semaphore, #tpu.memory_space<semaphore_mem>>) src(%dma_wait3A_47 : memref<10000x128xf32, #tpu.memory_space<hbm>>) dst(%arg11 : memref<96x128xf32, #tpu.memory_space<vmem>>)
    %dma_wait3A_48 = arith.constant 0 : i32
    %dma_wait3A_49 = tpu.memref_slice %arg4[%dma_wait3A_48] : memref<320000xi32, #tpu.memory_space<hbm>> -> memref<96xi32, #tpu.memory_space<hbm>>
    %dma_wait3A_50 = arith.constant 0 : i32
    %dma_wait3A_51 = tpu.memref_slice %arg4[%dma_wait3A_50] : memref<320000xi32, #tpu.memory_space<hbm>> -> memref<96xi32, #tpu.memory_space<hbm>>
    tpu.wait_dma2 semaphore(%arg20 : memref<!tpu.dma_semaphore, #tpu.memory_space<semaphore_mem>>) src(%dma_wait3A_51 : memref<96xi32, #tpu.memory_space<hbm>>) dst(%arg8 : memref<96xi32, #tpu.memory_space<vmem>>)
    "tpu.region"() ({
      %run_scoped3A = tpu.sem_alloc : memref<!tpu.dma_semaphore, #tpu.memory_space<semaphore_mem>>
      %dma_start3A_78 = arith.constant 0 : i32
      %dma_start3A_79 = arith.constant 0 : i32
      %dma_start3A_80 = tpu.memref_slice %arg16[%dma_start3A_78, %dma_start3A_79] : memref<10240x128xf32, #tpu.memory_space<vmem_shared>> -> memref<10240x128xf32, #tpu.memory_space<vmem_shared>>
      tpu.enqueue_indirect_dma source(%arg11 : memref<96x128xf32, #tpu.memory_space<vmem>>) target(%dma_start3A_80 : memref<10240x128xf32, #tpu.memory_space<vmem_shared>>) offsets(%arg8 : memref<96xi32, #tpu.memory_space<vmem>>) semaphore(%run_scoped3A : memref<!tpu.dma_semaphore, #tpu.memory_space<semaphore_mem>>) {add = true}
      %dma_wait3A_81 = arith.constant 0 : i32
      %dma_wait3A_82 = arith.constant 0 : i32
      %dma_wait3A_83 = tpu.memref_slice %arg16[%dma_wait3A_81, %dma_wait3A_82] : memref<10240x128xf32, #tpu.memory_space<vmem_shared>> -> memref<10240x128xf32, #tpu.memory_space<vmem_shared>>
      tpu.wait_indirect_dma semaphore(%run_scoped3A : memref<!tpu.dma_semaphore, #tpu.memory_space<semaphore_mem>>) src(%arg11 : memref<96x128xf32, #tpu.memory_space<vmem>>) dst(%dma_wait3A_83 : memref<10240x128xf32, #tpu.memory_space<vmem_shared>>)
      tpu.yield
    }) : () -> ()
    %dma_wait3A_52 = arith.constant 0 : i32
    %dma_wait3A_53 = tpu.memref_slice %arg7[%dma_wait3A_52] : memref<10000xi32, #tpu.memory_space<vmem>> -> memref<96xi32, #tpu.memory_space<vmem>>
    %dma_wait3A_54 = arith.constant 0 : i32
    %dma_wait3A_55 = arith.constant 0 : i32
    %dma_wait3A_56 = tpu.memref_slice %arg2[%dma_wait3A_54, %dma_wait3A_55] : memref<10000x128xf32, #tpu.memory_space<hbm>> -> memref<10000x128xf32, #tpu.memory_space<hbm>>
    tpu.wait_indirect_dma semaphore(%arg18 : memref<!tpu.dma_semaphore, #tpu.memory_space<semaphore_mem>>) src(%dma_wait3A_56 : memref<10000x128xf32, #tpu.memory_space<hbm>>) dst(%arg12 : memref<96x128xf32, #tpu.memory_space<vmem>>)
    %dma_wait3A_57 = arith.constant 0 : i32
    %dma_wait3A_58 = tpu.memref_slice %arg4[%dma_wait3A_57] : memref<320000xi32, #tpu.memory_space<hbm>> -> memref<96xi32, #tpu.memory_space<hbm>>
    %dma_wait3A_59 = arith.constant 0 : i32
    %dma_wait3A_60 = tpu.memref_slice %arg4[%dma_wait3A_59] : memref<320000xi32, #tpu.memory_space<hbm>> -> memref<96xi32, #tpu.memory_space<hbm>>
    tpu.wait_dma2 semaphore(%arg21 : memref<!tpu.dma_semaphore, #tpu.memory_space<semaphore_mem>>) src(%dma_wait3A_60 : memref<96xi32, #tpu.memory_space<hbm>>) dst(%arg9 : memref<96xi32, #tpu.memory_space<vmem>>)
    "tpu.region"() ({
      %run_scoped3A = tpu.sem_alloc : memref<!tpu.dma_semaphore, #tpu.memory_space<semaphore_mem>>
      %dma_start3A_78 = arith.constant 0 : i32
      %dma_start3A_79 = arith.constant 0 : i32
      %dma_start3A_80 = tpu.memref_slice %arg16[%dma_start3A_78, %dma_start3A_79] : memref<10240x128xf32, #tpu.memory_space<vmem_shared>> -> memref<10240x128xf32, #tpu.memory_space<vmem_shared>>
      tpu.enqueue_indirect_dma source(%arg12 : memref<96x128xf32, #tpu.memory_space<vmem>>) target(%dma_start3A_80 : memref<10240x128xf32, #tpu.memory_space<vmem_shared>>) offsets(%arg9 : memref<96xi32, #tpu.memory_space<vmem>>) semaphore(%run_scoped3A : memref<!tpu.dma_semaphore, #tpu.memory_space<semaphore_mem>>) {add = true}
      %dma_wait3A_81 = arith.constant 0 : i32
      %dma_wait3A_82 = arith.constant 0 : i32
      %dma_wait3A_83 = tpu.memref_slice %arg16[%dma_wait3A_81, %dma_wait3A_82] : memref<10240x128xf32, #tpu.memory_space<vmem_shared>> -> memref<10240x128xf32, #tpu.memory_space<vmem_shared>>
      tpu.wait_indirect_dma semaphore(%run_scoped3A : memref<!tpu.dma_semaphore, #tpu.memory_space<semaphore_mem>>) src(%arg12 : memref<96x128xf32, #tpu.memory_space<vmem>>) dst(%dma_wait3A_83 : memref<10240x128xf32, #tpu.memory_space<vmem_shared>>)
      tpu.yield
    }) : () -> ()
    %add3A_61 = arith.constant 9984 : i32
    %add3A_62 = arith.addi %mul3A_2, %add3A_61 : i32
    "tpu.region"() ({
      %run_scoped3A = tpu.sem_alloc : memref<!tpu.dma_semaphore, #tpu.memory_space<semaphore_mem>>
      %dma_start3A_78 = tpu.memref_slice %arg3[%add3A_62] : memref<320000xi32, #tpu.memory_space<hbm>> -> memref<16xi32, #tpu.memory_space<hbm>>
      %dma_start3A_79 = tpu.memref_slice %arg3[%add3A_62] : memref<320000xi32, #tpu.memory_space<hbm>> -> memref<16xi32, #tpu.memory_space<hbm>>
      tpu.enqueue_dma source(%dma_start3A_79 : memref<16xi32, #tpu.memory_space<hbm>>) target(%arg14 : memref<16xi32, #tpu.memory_space<vmem>>) target_semaphore(%run_scoped3A : memref<!tpu.dma_semaphore, #tpu.memory_space<semaphore_mem>>)
      %dma_wait3A_80 = tpu.memref_slice %arg3[%add3A_62] : memref<320000xi32, #tpu.memory_space<hbm>> -> memref<16xi32, #tpu.memory_space<hbm>>
      %dma_wait3A_81 = tpu.memref_slice %arg3[%add3A_62] : memref<320000xi32, #tpu.memory_space<hbm>> -> memref<16xi32, #tpu.memory_space<hbm>>
      tpu.wait_dma2 semaphore(%run_scoped3A : memref<!tpu.dma_semaphore, #tpu.memory_space<semaphore_mem>>) src(%dma_wait3A_81 : memref<16xi32, #tpu.memory_space<hbm>>) dst(%arg14 : memref<16xi32, #tpu.memory_space<vmem>>)
      tpu.yield
    }) : () -> ()
    %add3A_63 = arith.constant 9984 : i32
    %add3A_64 = arith.addi %mul3A_2, %add3A_63 : i32
    "tpu.region"() ({
      %run_scoped3A = tpu.sem_alloc : memref<!tpu.dma_semaphore, #tpu.memory_space<semaphore_mem>>
      %dma_start3A_78 = tpu.memref_slice %arg4[%add3A_64] : memref<320000xi32, #tpu.memory_space<hbm>> -> memref<16xi32, #tpu.memory_space<hbm>>
      %dma_start3A_79 = tpu.memref_slice %arg4[%add3A_64] : memref<320000xi32, #tpu.memory_space<hbm>> -> memref<16xi32, #tpu.memory_space<hbm>>
      tpu.enqueue_dma source(%dma_start3A_79 : memref<16xi32, #tpu.memory_space<hbm>>) target(%arg15 : memref<16xi32, #tpu.memory_space<vmem>>) target_semaphore(%run_scoped3A : memref<!tpu.dma_semaphore, #tpu.memory_space<semaphore_mem>>)
      %dma_wait3A_80 = tpu.memref_slice %arg4[%add3A_64] : memref<320000xi32, #tpu.memory_space<hbm>> -> memref<16xi32, #tpu.memory_space<hbm>>
      %dma_wait3A_81 = tpu.memref_slice %arg4[%add3A_64] : memref<320000xi32, #tpu.memory_space<hbm>> -> memref<16xi32, #tpu.memory_space<hbm>>
      tpu.wait_dma2 semaphore(%run_scoped3A : memref<!tpu.dma_semaphore, #tpu.memory_space<semaphore_mem>>) src(%dma_wait3A_81 : memref<16xi32, #tpu.memory_space<hbm>>) dst(%arg15 : memref<16xi32, #tpu.memory_space<vmem>>)
      tpu.yield
    }) : () -> ()
    %dma_start3A_65 = arith.constant 0 : i32
    %dma_start3A_66 = arith.constant 0 : i32
    %dma_start3A_67 = tpu.memref_slice %arg11[%dma_start3A_65, %dma_start3A_66] : memref<96x128xf32, #tpu.memory_space<vmem>> -> memref<16x128xf32, #tpu.memory_space<vmem>>
    %dma_start3A_68 = arith.constant 0 : i32
    %dma_start3A_69 = arith.constant 0 : i32
    %dma_start3A_70 = tpu.memref_slice %arg2[%dma_start3A_68, %dma_start3A_69] : memref<10000x128xf32, #tpu.memory_space<hbm>> -> memref<10000x128xf32, #tpu.memory_space<hbm>>
    tpu.enqueue_indirect_dma source(%dma_start3A_70 : memref<10000x128xf32, #tpu.memory_space<hbm>>) target(%dma_start3A_67 : memref<16x128xf32, #tpu.memory_space<vmem>>) offsets(%arg14 : memref<16xi32, #tpu.memory_space<vmem>>) semaphore(%arg23 : memref<!tpu.dma_semaphore, #tpu.memory_space<semaphore_mem>>)
    %dma_wait3A_71 = arith.constant 0 : i32
    %dma_wait3A_72 = arith.constant 0 : i32
    %dma_wait3A_73 = tpu.memref_slice %arg11[%dma_wait3A_71, %dma_wait3A_72] : memref<96x128xf32, #tpu.memory_space<vmem>> -> memref<16x128xf32, #tpu.memory_space<vmem>>
    %dma_wait3A_74 = arith.constant 0 : i32
    %dma_wait3A_75 = arith.constant 0 : i32
    %dma_wait3A_76 = tpu.memref_slice %arg2[%dma_wait3A_74, %dma_wait3A_75] : memref<10000x128xf32, #tpu.memory_space<hbm>> -> memref<10000x128xf32, #tpu.memory_space<hbm>>
    tpu.wait_indirect_dma semaphore(%arg23 : memref<!tpu.dma_semaphore, #tpu.memory_space<semaphore_mem>>) src(%dma_wait3A_76 : memref<10000x128xf32, #tpu.memory_space<hbm>>) dst(%dma_wait3A_73 : memref<16x128xf32, #tpu.memory_space<vmem>>)
    "tpu.region"() ({
      %run_scoped3A = tpu.sem_alloc : memref<!tpu.dma_semaphore, #tpu.memory_space<semaphore_mem>>
      %dma_start3A_78 = arith.constant 0 : i32
      %dma_start3A_79 = arith.constant 0 : i32
      %dma_start3A_80 = tpu.memref_slice %arg11[%dma_start3A_78, %dma_start3A_79] : memref<96x128xf32, #tpu.memory_space<vmem>> -> memref<16x128xf32, #tpu.memory_space<vmem>>
      %dma_start3A_81 = arith.constant 0 : i32
      %dma_start3A_82 = arith.constant 0 : i32
      %dma_start3A_83 = tpu.memref_slice %arg16[%dma_start3A_81, %dma_start3A_82] : memref<10240x128xf32, #tpu.memory_space<vmem_shared>> -> memref<10240x128xf32, #tpu.memory_space<vmem_shared>>
      tpu.enqueue_indirect_dma source(%dma_start3A_80 : memref<16x128xf32, #tpu.memory_space<vmem>>) target(%dma_start3A_83 : memref<10240x128xf32, #tpu.memory_space<vmem_shared>>) offsets(%arg15 : memref<16xi32, #tpu.memory_space<vmem>>) semaphore(%run_scoped3A : memref<!tpu.dma_semaphore, #tpu.memory_space<semaphore_mem>>) {add = true}
      %dma_wait3A_84 = arith.constant 0 : i32
      %dma_wait3A_85 = arith.constant 0 : i32
      %dma_wait3A_86 = tpu.memref_slice %arg11[%dma_wait3A_84, %dma_wait3A_85] : memref<96x128xf32, #tpu.memory_space<vmem>> -> memref<16x128xf32, #tpu.memory_space<vmem>>
      %dma_wait3A_87 = arith.constant 0 : i32
      %dma_wait3A_88 = arith.constant 0 : i32
      %dma_wait3A_89 = tpu.memref_slice %arg16[%dma_wait3A_87, %dma_wait3A_88] : memref<10240x128xf32, #tpu.memory_space<vmem_shared>> -> memref<10240x128xf32, #tpu.memory_space<vmem_shared>>
      tpu.wait_indirect_dma semaphore(%run_scoped3A : memref<!tpu.dma_semaphore, #tpu.memory_space<semaphore_mem>>) src(%dma_wait3A_86 : memref<16x128xf32, #tpu.memory_space<vmem>>) dst(%dma_wait3A_89 : memref<10240x128xf32, #tpu.memory_space<vmem_shared>>)
      tpu.yield
    }) : () -> ()
    %barrier3A_77 = arith.constant 0 : index
    tpu.barrier barrier_id(%barrier3A_77)
    "tpu.region"() ({
      %run_scoped3A = tpu.sem_alloc : memref<!tpu.dma_semaphore, #tpu.memory_space<semaphore_mem>>
      %dma_start3A_78 = arith.constant 0 : i32
      %dma_start3A_79 = tpu.memref_slice %arg6[%arg0, %mul3A_4, %dma_start3A_78] : memref<2x10240x128xf32, #tpu.memory_space<hbm>> -> memref<1x640x128xf32, #tpu.memory_space<hbm>>
      %dma_start3A_80 = tpu.memref_squeeze %dma_start3A_79 : memref<1x640x128xf32, #tpu.memory_space<hbm>> -> memref<640x128xf32, #tpu.memory_space<hbm>>
      %dma_start3A_81 = arith.constant 0 : i32
      %dma_start3A_82 = tpu.memref_slice %arg16[%mul3A_4, %dma_start3A_81] : memref<10240x128xf32, #tpu.memory_space<vmem_shared>> -> memref<640x128xf32, #tpu.memory_space<vmem_shared>>
      tpu.enqueue_dma source(%dma_start3A_82 : memref<640x128xf32, #tpu.memory_space<vmem_shared>>) target(%dma_start3A_80 : memref<640x128xf32, #tpu.memory_space<hbm>>) target_semaphore(%run_scoped3A : memref<!tpu.dma_semaphore, #tpu.memory_space<semaphore_mem>>)
      %dma_wait3A_83 = arith.constant 0 : i32
      %dma_wait3A_84 = tpu.memref_slice %arg6[%arg0, %mul3A_4, %dma_wait3A_83] : memref<2x10240x128xf32, #tpu.memory_space<hbm>> -> memref<1x640x128xf32, #tpu.memory_space<hbm>>
      %dma_wait3A_85 = tpu.memref_squeeze %dma_wait3A_84 : memref<1x640x128xf32, #tpu.memory_space<hbm>> -> memref<640x128xf32, #tpu.memory_space<hbm>>
      %dma_wait3A_86 = arith.constant 0 : i32
      %dma_wait3A_87 = tpu.memref_slice %arg16[%mul3A_4, %dma_wait3A_86] : memref<10240x128xf32, #tpu.memory_space<vmem_shared>> -> memref<640x128xf32, #tpu.memory_space<vmem_shared>>
      tpu.wait_dma2 semaphore(%run_scoped3A : memref<!tpu.dma_semaphore, #tpu.memory_space<semaphore_mem>>) src(%dma_wait3A_87 : memref<640x128xf32, #tpu.memory_space<vmem_shared>>) dst(%dma_wait3A_85 : memref<640x128xf32, #tpu.memory_space<hbm>>)
      tpu.yield
    }) : () -> ()
    return
  }
}

</mosaic_0001>

<sc_bundles>
// kernel: _segment_sum_sc.3.cloned.1.call-start
scs
__scs_entry_jumppad:
0x0: {  	(pc) =	sbr.rel $0x88, $3  }
0x1: {  	(tag) =	ssettag $0x0;
	lr =	simm.s32 $0x1  }
0x2: {  	[smem:$0x3F9D] =	sst lr;
	_ =	strace $0xD0000000  }
0x3: {  	_ = 	snop  }
0x4: {  	_ = 	snop  }
0x5: {  	_ = 	snop  }
0x6: {  	_ = 	snop  }
0x7: {  	_ = 	snop  }
__scs_overlays_trampoline_lowered:
0x8: {  	[smem:$0x3FAC] =	sst s0  }
0x9: {  	[smem:$0x3FAD] =	sst s1  }
0xa: {  	[smem:$0x3FAE] =	sst s2  }
0xb: {  	[smem:$0x3FAF] =	sst s3  }
0xc: {  	[smem:$0x3FB0] =	sst s4  }
0xd: {  	[smem:$0x3FB1] =	sst s5  }
0xe: {  	[smem:$0x3FB2] =	sst s6  }
0xf: {  	[smem:$0x3FB3] =	sst s7  }
0x10: {  	[smem:$0x3FB4] =	sst s8  }
0x11: {  	[smem:$0x3FB5] =	sst s9;
	s0 =	simm.s32 @!p0 $0x0  }
0x12: {  	s1 =	sld [smem:$0x3F9B];
	s0 =	simm.s32 @p0 $0x1  }
0x13: {  	[smem:$0x3FB6] =	sst s0;
	s0 =	simm.s32 @!p1 $0x0  }
0x14: {  	s2 =	sld [smem:$0x3F9A];
	s0 =	simm.s32 @p1 $0x1  }
0x15: {  	[smem:$0x3FB7] =	sst s0;
	s0 =	simm.s32 @!p2 $0x0  }
0x16: {  	s3 =	sld [smem:$0x3FDB];
	s0 =	simm.s32 @p2 $0x1  }
0x17: {  	s4 =	simm.s32 $0x1BF5;
	[smem:$0x3FB9] =	sst s0  }
0x18: {  	s0 =	sld [smem:$0x3F9C];
	_ =	swait.ge [sflag:s4], $0x0  }
0x19: {  	s7 =	sld [smem:$0x3F9D]  }
0x1a: {  	s8 =	sadd.s32 $0xFFFFE003, lr  }
0x1b: {  	s9 =	sadd.s32 $0xFFFFFEF7, lr;
	s5 =	simm.s32 $0xFFFFFFFF;
	p2 =	slt.u32 s8, $0xFFFFF086  }
0x1c: {  	p1 =	slt.u32 s9, $0xF7A;
	s5 =	simm.s32 @!p2 $0x0  }
0x1d: {  	s5 =	simm.s32 @p1 $0x1;
	p0 =	seq.s32 s7, s2  }
0x1e: {  	s7 =	smul.u32 @!p0 $0xF7A, s2;
	p2 =	seq.s32 @!p0 s5, $0x0  }
0x1f: {  	s9 =	smul.u32 $0xF7A, s1;
	s8 =	simm.s32 @!p0 $0x1BF5;
	p2 =	por !p2, p0  }
0x20: {  	[sflag:s8] =	ssyncset.s32 @!p0 $0xFFFFF086;
	s6 =	sadd.s32 @!p0 s3, s7;
	s7 =	simm.s32 @!p0 $0x108  }
0x21: {  	s3 =	sadd.s32 s3, s9;
	s6 =	sadd.s32 @!p0 $0x88, s6;
	s7 =	simm.s32 @p2 $0x1082  }
0x22: {  	[simem:s7], [sflag:s8] =	dma.local @!p0 [hbm:s6], $0xF7A  }
0x23: {  	s9 =	sor.u32 $0xD0000000, s2;
	s6 =	simm.s32 $0x108;
	_ =	swait.ge @!p0 [sflag:s8], $0x0  }
0x24: {  	s3 =	sadd.s32 $0x88, s3;
	s6 =	simm.s32 @!p1 $0x1082;
	[sflag:s4] =	ssyncset.s32 $0xFFFFF086  }
0x25: {  	[simem:s6], [sflag:s4] =	dma.local [hbm:s3], $0xF7A  }
0x26: {  	[smem:$0x3F9D] =	sst s1;
	(tag) =	ssettag s2;
	_ =	strace s9  }
0x27: {  	s1 =	sld [smem:$0x3FAD]  }
0x28: {  	s2 =	sld [smem:$0x3FAE]  }
0x29: {  	s4 =	sld [smem:$0x3FB0]  }
0x2a: {  	p0 =	seq.s32 s5, $0x0;
	s5 =	sld [smem:$0x3FB1]  }
0x2b: {  	s6 =	sld [smem:$0x3FB2]  }
0x2c: {  	s7 =	sld [smem:$0x3FB3]  }
0x2d: {  	s3 =	simm.s32 $0x108;
	s8 =	sld [smem:$0x3FB4]  }
0x2e: {  	s3 =	simm.s32 @!p0 $0x1082;
	s9 =	sld [smem:$0x3FB5]  }
0x2f: {  	lr =	sadd.s32 s0, s3;
	s0 =	sld [smem:$0x3FAC]  }
0x30: {  	s3 =	sld [smem:$0x3FAF]  }
0x31: {  	[smem:$0x3FB8] =	sst s10  }
0x32: {  	s10 =	sld [smem:$0x3FB6];
	_ =	sdelay $0x3  }
0x33: {  	p0 =	seq.s32 s10, $0x1;
	s10 =	sld [smem:$0x3FB8];
	_ =	sdelay $0x3  }
0x34: {  	[smem:$0x3FB8] =	sst s10  }
0x35: {  	s10 =	sld [smem:$0x3FB7];
	_ =	sdelay $0x3  }
0x36: {  	p1 =	seq.s32 s10, $0x1;
	s10 =	sld [smem:$0x3FB8];
	_ =	sdelay $0x3  }
0x37: {  	[smem:$0x3FB8] =	sst s10  }
0x38: {  	s10 =	sld [smem:$0x3FB9]  }
0x39: {  	_ = 	snop;
	(pc) =	sbr.ind lr, $3  }
0x3a: {  	_ = 	snop  }
0x3b: {  	_ = 	snop  }
0x3c: {  	p2 =	seq.s32 s10, $0x1;
	s10 =	sld [smem:$0x3FB8]  }
0x3d: {  	_ =	shalt  }
0x3e: {  	_ =	shalt  }
0x3f: {  	_ =	shalt  }
0x40: {  	_ =	shalt  }
0x41: {  	_ =	shalt  }
0x42: {  	_ =	shalt  }
0x43: {  	_ =	shalt  }
0x44: {  	_ =	shalt  }
0x45: {  	_ =	shalt  }
0x46: {  	_ =	shalt  }
0x47: {  	_ =	shalt  }
0x48: {  	_ =	shalt  }
0x49: {  	_ =	shalt  }
0x4a: {  	_ =	shalt  }
0x4b: {  	_ =	shalt  }
0x4c: {  	_ =	shalt  }
0x4d: {  	_ =	shalt  }
0x4e: {  	_ =	shalt  }
0x4f: {  	_ =	shalt  }
0x50: {  	_ =	shalt  }
0x51: {  	_ =	shalt  }
0x52: {  	_ =	shalt  }
0x53: {  	_ =	shalt  }
0x54: {  	_ =	shalt  }
0x55: {  	_ =	shalt  }
0x56: {  	_ =	shalt  }
0x57: {  	_ =	shalt  }
0x58: {  	_ =	shalt  }
0x59: {  	_ =	shalt  }
0x5a: {  	_ =	shalt  }
0x5b: {  	_ =	shalt  }
0x5c: {  	_ =	shalt  }
0x5d: {  	_ =	shalt  }
0x5e: {  	_ =	shalt  }
0x5f: {  	_ =	shalt  }
0x60: {  	_ =	shalt  }
0x61: {  	_ =	shalt  }
0x62: {  	_ =	shalt  }
0x63: {  	_ =	shalt  }
0x64: {  	_ =	shalt  }
0x65: {  	_ =	shalt  }
0x66: {  	_ =	shalt  }
0x67: {  	_ =	shalt  }
0x68: {  	_ =	shalt  }
0x69: {  	_ =	shalt  }
0x6a: {  	_ =	shalt  }
0x6b: {  	_ =	shalt  }
0x6c: {  	_ =	shalt  }
0x6d: {  	_ =	shalt  }
0x6e: {  	_ =	shalt  }
0x6f: {  	_ =	shalt  }
0x70: {  	_ =	shalt  }
0x71: {  	_ =	shalt  }
0x72: {  	_ =	shalt  }
0x73: {  	_ =	shalt  }
0x74: {  	_ =	shalt  }
0x75: {  	_ =	shalt  }
0x76: {  	_ =	shalt  }
0x77: {  	_ =	shalt  }
0x78: {  	_ =	shalt  }
0x79: {  	_ =	shalt  }
0x7a: {  	_ =	shalt  }
0x7b: {  	_ =	shalt  }
0x7c: {  	_ =	shalt  }
0x7d: {  	_ =	shalt  }
0x7e: {  	_ =	shalt  }
0x7f: {  	_ =	shalt  }
0x80: {  	_ =	shalt  }
0x81: {  	_ =	shalt  }
0x82: {  	_ =	shalt  }
0x83: {  	_ =	shalt  }
0x84: {  	_ =	shalt  }
0x85: {  	_ =	shalt  }
0x86: {  	_ =	shalt  }
0x87: {  	_ =	shalt  }
.Lfunc_end0:
.L_simem_size_0:
called_computation_lowered:
.L_overlay_start_0:
0x88: {  	s2 =	sld [smem:$0x3FD9]  }
0x89: {  	s3 =	sld [smem:$0x3FFE];
	_ =	sdelay $0x1  }
0x8a: {  	s1 =	srdreg.scid  }
0x8b: {  	s0 =	sand.u32 $0x1, s1  }
0x8c: {  	s18 =	sshll.u32 s0, $0xA;
	s2 =	sadd.s32 s3, s2  }
0x8d: {  	s2 =	sadd.s32 s2, s18  }
0x8e: {  	[smem:$0x3FC4] =	sst s2  }
0x8f: {  	_ = 	snop  }
0x90: {  	s2 =	sld [smem:$0x3FC9]  }
0x91: {  	s19 =	sld [smem:$0x3FC8]  }
0x92: {  	s4 =	sld [smem:$0x3FC7]  }
0x93: {  	s5 =	sld [smem:$0x3FC6]  }
0x94: {  	s6 =	sld [smem:$0x3FD0];
	(tm) =	ssettm $0x1  }
0x95: {  	s7 =	sld [smem:$0x3FFB];
	_ =	sdelay $0x3  }
0x96: {  	_ =	strace s7  }
0x97: {  	s7 =	sld [smem:$0x3FFC];
	_ =	sdelay $0x3  }
0x98: {  	_ =	strace s7  }
0x99: {  	s7 =	sld [smem:$0x3FFD];
	_ =	sdelay $0x3  }
0x9a: {  	_ =	strace s7  }
0x9b: {  	_ =	strace $0x8FFFFFFF  }
0x9c: {  	s20 =	sld [smem:$0x3FDB];
	_ =	sdelay $0x1  }
0x9d: {  	s8 =	simm.s32 $_scs_section_size  }
0x9e: {  	s9 =	simm.s32 $_size__tile_overlayer_lowered;
	s10 =	simm.s32 $_tile_overlayer_lowered  }
0x9f: {  	s23 =	simm.s32 $0x1BFF;
	s22 =	sshll.u32 s10, $0x1;
	s7 =	sadd.s32 s8, s20  }
0xa0: {  	s11 =	simm.s32 $0x0;
	s21 =	sshll.u32 s9, $0x1;
	s9 =	sadd.s32 s22, s7  }
0xa1: {  	[timem:s11], [sflag:s23] =	dma.local [hbm:s9], s21  }
0xa2: {  	_ =	swait.ge [sflag:s23], s21  }
0xa3: {  	s8 =	ssub.s32 $0x0, s21;
	[sflag:s23] =	ssyncset.done $0x0  }
0xa4: {  	[sflag:s23] =	ssyncadd.s32 s8;
	_ =	sdelay $0x1  }
0xa5: {  	s24 =	simm.s32 $0x1B8B  }
0xa6: {  	_ =	swait.ge [sflag:s24], $0x1  }
0xa7: {  	[sflag:s24] =	ssyncset.done $0x0  }
0xa8: {  	s25 =	simm.s32 $0x1B8E;
	[sflag:s24] =	ssyncadd.s32 $0xFFFFFFFF  }
0xa9: {  	s26 =	simm.s32 $execute0_lowered;
	[smem:$0x3FD2] =	sst s25  }
0xaa: {  	s8 =	sshll.u32 s26, $0x1;
	_ =	strace $0x80000046;
	[dreg:$0x1] =	wrdreg $0xFFFFFFFF  }
0xab: {  	s28 =	simm.s32 $_size_execute0_lowered;
	s7 =	sadd.s32 s7, s8;
	[dreg:$0x0] =	wrdreg $0x0  }
0xac: {  	s8 =	sshll.u32 s28, $0x1;
	[dreg:$0x2] =	wrdreg s7  }
0xad: {  	[dreg:$0x3] =	wrdreg s8  }
0xae: {  	[dreg:$0x4] =	wrdreg $0xC0  }
0xaf: {  	_ =	task [dreg:s11], $0x5FFFF  }
0xb0: {  	[dreg:$0x1] =	wrdreg $0xFFFFFFFF  }
0xb1: {  	[dreg:$0x0] =	wrdreg $0x60  }
0xb2: {  	[dreg:$0x2] =	wrdreg s2  }
0xb3: {  	[dreg:$0x3] =	wrdreg s19  }
0xb4: {  	[dreg:$0x4] =	wrdreg s4  }
0xb5: {  	[dreg:$0x5] =	wrdreg s5  }
0xb6: {  	[dreg:$0x6] =	wrdreg s6  }
0xb7: {  	[dreg:$0x7] =	wrdreg $0xBA000  }
0xb8: {  	[dreg:$0x8] =	wrdreg $0x9  }
0xb9: {  	_ =	task.clear_ibuf [dreg:s11], $0x9FFFF;
	_ =	strace $0x90000046  }
0xba: {  	s29 =	simm.s32 $0x9;
	_ =	strace $0x80000048  }
0xbb: {  	_ =	swait.ge [sflag:s29], $0x1  }
0xbc: {  	[sflag:s29] =	ssyncadd.s32 $0xFFFFFFFF  }
0xbd: {  	_ =	strace $0x90000048  }
0xbe: {  	_ =	sfence  }
0xbf: {  	s30 =	sld [smem:$0x0];
	_ =	sdelay $0x2  }
0xc0: {  	s31 =	sshll.u32 s1, $0xD;
	s1 =	sshrl.u32 s1, $0x2  }
0xc1: {  	s3 =	sand.u32 $0x4000, s31;
	s1 =	sadd.s32 s1, s30  }
0xc2: {  	s0 =	sor.u32 s3, s0;
	s1 =	sshll.u32 s1, $0x11  }
0xc3: {  	s0 =	sor.u32 s1, s0  }
0xc4: {  	s0 =	sadd.s32 $0x8F2B, s0  }
0xc5: {  	[sflag:s0] =	ssyncadd.remote.s32 $0x1  }
0xc6: {  	_ =	sfence.sel $0xFFFF  }
0xc7: {  	[dreg:$0x0] =	wrdreg $0xFFFFFFFF;
	(pc) =	sbr.abs _section_cstart, $3  }
0xc8: {  	[dreg:$0x1] =	wrdreg $0xFFFFFFFF  }
0xc9: {  	_ =	task.clear_ibuf [dreg:s11], $0x2FFFF;
	_ =	strace $0x9FFFFFFF  }
0xca: {  	(tm) =	ssettm $0x7FFFFFFF  }
0xcb: {  	_ =	shalt  }
tec
execute0_lowered:
.L_overlay_start_1:
0x0: {  	(tag) =	ssettag $0x1  }
0x1: {  	s1 =	rddreg [dreg:$0x0]  }
0x2: {  	s0 =	rddreg [dreg:$0x1]  }
0x3: {  	s2 =	rddreg [dreg:$0x2]  }
0x4: {  	s4 =	rddreg [dreg:$0x3]  }
0x5: {  	s6 =	rddreg [dreg:$0x4]  }
0x6: {  	s3 =	rddreg [dreg:$0x5];
	s5 =	simm.s32 $0x0  }
0x7: {  	s7 =	srdreg.scid;
	s13 =	stileid.u32;
	s28 =	simm.s32 $0x2800  }
0x8: {  	s29 =	simm.s32 $0x5900;
	s30 =	simm.s32 $0x2880;
	s31 =	simm.s32 $0x1  }
0x9: {  	[smem:$0x7FF] =	sst s5;
	s7 =	sand.u32 $0x1, s7;
	s9 =	smul.u32 $0x50000, s13  }
0xa: {  	s8 =	sshll.u32 s13, $0x1;
	s11 =	smul.u32 $0x14000, s13;
	s25 =	sshll.u32 s13, $0x6  }
0xb: {  	s18 =	smul.u32 $0x4E20, s13;
	_ =	strace $0x80000047;
	s10 =	ssub.s32 $0x2, s7  }
0xc: {  	s8 =	sor.u32 s7, s8;
	[dreg:$0x8] =	wrdreg s25;
	s15 =	smul.u32 $0x140000, s7  }
0xd: {  	s14 =	sor.u32 $0x1C07, s25;
	s7 =	smul.u32 $0x2710, s7;
	s12 =	sshrl.u32 s10, $0x1  }
0xe: {  	s8 =	smul.u32 $0x2710, s8;
	s9 =	sshrl.u32 s9, $0x2;
	s24 =	sshrl.u32 s11, $0x3  }
0xf: {  	[dreg:$0x9] =	wrdreg s14;
	s10 =	ssub.s32 s10, s12;
	s9 =	sadd.s32 s9, s3  }
0x10: {  	s4 =	sadd.s32 s4, s24;
	s21 =	sadd.s32 s7, s18;
	s7 =	simm.s32 $0x6  }
0x11: {  	[dreg:$0x7] =	wrdreg s4;
	s26 =	sshrl.u32 s8, $0x3;
	s8 =	sadd.s32 s11, s15  }
0x12: {  	s22 =	smax.u32 s10, $0x1;
	s23 =	sadd.s32 $0x1E0, s21;
	s24 =	sadd.s32 $0x180, s21  }
0x13: {  	s21 =	sadd.s32 $0x120, s21;
	s10 =	simm.s32 $0x5;
	s11 =	simm.s32 $0x3  }
0x14: {  	s15 =	simm.s32 $0x0;
	s16 =	sadd.s32 s0, s26;
	[dreg:$0x11] =	wrdreg s22  }
0x15: {  	s14 =	sadd.s32 s2, s26;
	s4 =	sadd.s32 $0x4E0, s26;
	[dreg:$0xb] =	wrdreg s16  }
0x16: {  	s20 =	sshrl.u32 s8, $0x3;
	s17 =	sadd.s32 $0xC, s14;
	[dreg:$0xa] =	wrdreg s14  }
0x17: {  	s22 =	sshrl.u32 s9, $0x3;
	s19 =	sadd.s32 $0x18, s14;
	[dreg:$0xc] =	wrdreg s17  }
0x18: {  	s8 =	simm.s32 $0x2;
	s0 =	sadd.s32 s0, s4;
	[dreg:$0xd] =	wrdreg s19  }
0x19: {  	s4 =	sadd.s32 s2, s4;
	s25 =	sadd.s32 $0x4C8, s14;
	[dreg:$0xe] =	wrdreg s0  }
0x1a: {  	s26 =	sadd.s32 $0x4D4, s14;
	s14 =	simm.s32 $0x10;
	[dreg:$0xf] =	wrdreg s4  }
0x1b: {  	s0 =	sadd.s32 s6, s20;
	[dreg:$0x12] =	wrdreg s25;
	s4 =	sshrl.u32 s23, $0x3  }
0x1c: {  	s6 =	sshrl.u32 s24, $0x3;
	[dreg:$0x13] =	wrdreg s26;
	s23 =	simm.s32 $0x8  }
0x1d: {  	s24 =	simm.s32 $0x2780;
	s25 =	simm.s32 $0x60;
	s26 =	simm.s32 $0x2900  }
0x1e: {  	[dreg:$0x10] =	wrdreg s0;
	s19 =	sadd.s32 s4, s2;
	s20 =	sadd.s32 s6, s2  }
0x1f: {  	s0 =	simm.s32 $0x8900;
	s4 =	simm.s32 $0x7;
	s6 =	simm.s32 $0x4  }
.LBB2_1:
0x20: {  	s9 =	rddreg [dreg:$0x7]  }
0x21: {  	s12 =	rddreg [dreg:$0x9]  }
0x22: {  	[spmem:s22], [sflag:s12] =	dma.local [hbm:s9], $0x2800  }
0x23: {  	s9 =	rddreg [dreg:$0xb]  }
0x24: {  	[tilespmem:s5], [sflag:$0x8] =	stream.linear.gather [hbm4b:s9+s5], $0x2710, $0x38;
	[tilespmem:$0x1FA00] =	vst v63  }
0x25: {  	_ =	swait.ge [sflag:s23], $0x2710  }
0x26: {  	[sflag:s23] =	ssyncset.done $0x0  }
0x27: {  	s17 =	rddreg [dreg:$0xa];
	[sflag:s23] =	ssyncadd.s32 $0xFFFFD8F0  }
0x28: {  	[tilespmem:s24], [sflag:$0x4] =	stream.linear.gather [hbm4b:s17+s5], $0x60, $0x38;
	[tilespmem:$0x1FA00] =	vst v63  }
0x29: {  	_ = 	snop  }
0x2a: {  	[tilespmem:s26], [sflag:$0x1] =	stream.indirect.gather [hbm4b:s1+s25], $0x80, s5, s25, $0xb8;
	[tilespmem:$0x1FA00] =	vst v63  }
0x2b: {  	s18 =	rddreg [dreg:$0xc]  }
0x2c: {  	[tilespmem:s28], [sflag:$0x5] =	stream.linear.gather [hbm4b:s18+s5], $0x60, $0x38;
	[tilespmem:$0x1FA00] =	vst v63  }
0x2d: {  	_ = 	snop  }
0x2e: {  	[tilespmem:s29], [sflag:$0x2] =	stream.indirect.gather [hbm4b:s1+s25], $0x80, s25, s25, $0xb8;
	[tilespmem:$0x1FA00] =	vst v63  }
0x2f: {  	s12 =	rddreg [dreg:$0xd]  }
0x30: {  	[tilespmem:s30], [sflag:$0x6] =	stream.linear.gather [hbm4b:s12+s5], $0x60, $0x38;
	[tilespmem:$0x1FA00] =	vst v63  }
0x31: {  	s13 =	simm.s32 $0xC0  }
0x32: {  	[tilespmem:s0], [sflag:$0x3] =	stream.indirect.gather [hbm4b:s1+s25], $0x80, s13, s25, $0xb8;
	[tilespmem:$0x1FA00] =	vst v63  }
0x33: {  	_ =	swait.ge [sflag:s4], $0x2800  }
0x34: {  	[sflag:s4] =	ssyncset.done $0x0  }
0x35: {  	[sflag:s4] =	ssyncadd.s32 $0xFFFFD800  }
0x36: {  	[bflag:$0x0] =	sbarrier.arrive $0xFFFF  }
0x37: {  	_ =	swait.ge [sflag:s31], $0x3000  }
0x38: {  	[sflag:s31] =	ssyncset.done $0x0  }
0x39: {  	[sflag:s31] =	ssyncadd.s32 $0xFFFFD000  }
0x3a: {  	_ =	swait.ge [sflag:s6], $0x60  }
0x3b: {  	[sflag:s6] =	ssyncset.done $0x0  }
0x3c: {  	[sflag:s6] =	ssyncadd.s32 $0xFFFFFFA0  }
0x3d: {  	[spmem:s3] =	stream.indirect.scatter.add.f32 [tilespmem:s26], [sflag:$0x8], $0x80, s24, s25, $0xb8;
	[tilespmem:$0x1FA00] =	vst v63  }
0x3e: {  	_ =	swait.ge [sflag:s23], $0x3000  }
0x3f: {  	s16 =	sshrl.u32 s21, $0x3;
	[sflag:s23] =	ssyncset.done $0x0  }
0x40: {  	s9 =	sadd.s32 s2, s16;
	[sflag:s23] =	ssyncadd.s32 $0xFFFFD000  }
0x41: {  	[tilespmem:s24], [sflag:$0x4] =	stream.linear.gather [hbm4b:s9+s5], $0x60, $0x38;
	[tilespmem:$0x1FA00] =	vst v63  }
0x42: {  	s17 =	simm.s32 $0x120  }
0x43: {  	[tilespmem:s26], [sflag:$0x1] =	stream.indirect.gather [hbm4b:s1+s25], $0x80, s17, s25, $0xb8;
	[tilespmem:$0x1FA00] =	vst v63  }
0x44: {  	_ =	swait.ge [sflag:s8], $0x3000  }
0x45: {  	[sflag:s8] =	ssyncset.done $0x0  }
0x46: {  	[sflag:s8] =	ssyncadd.s32 $0xFFFFD000  }
0x47: {  	_ =	swait.ge [sflag:s10], $0x60  }
0x48: {  	[sflag:s10] =	ssyncset.done $0x0  }
0x49: {  	[sflag:s10] =	ssyncadd.s32 $0xFFFFFFA0  }
0x4a: {  	[spmem:s3] =	stream.indirect.scatter.add.f32 [tilespmem:s29], [sflag:$0x8], $0x80, s28, s25, $0xb8;
	[tilespmem:$0x1FA00] =	vst v63  }
0x4b: {  	_ =	swait.ge [sflag:s23], $0x3000  }
0x4c: {  	[sflag:s23] =	ssyncset.done $0x0  }
0x4d: {  	[sflag:s23] =	ssyncadd.s32 $0xFFFFD000  }
0x4e: {  	[tilespmem:s28], [sflag:$0x5] =	stream.linear.gather [hbm4b:s20+s5], $0x60, $0x38;
	[tilespmem:$0x1FA00] =	vst v63  }
0x4f: {  	s18 =	simm.s32 $0x180  }
0x50: {  	[tilespmem:s29], [sflag:$0x2] =	stream.indirect.gather [hbm4b:s1+s25], $0x80, s18, s25, $0xb8;
	[tilespmem:$0x1FA00] =	vst v63  }
0x51: {  	_ =	swait.ge [sflag:s11], $0x3000  }
0x52: {  	[sflag:s11] =	ssyncset.done $0x0  }
0x53: {  	[sflag:s11] =	ssyncadd.s32 $0xFFFFD000  }
0x54: {  	_ =	swait.ge [sflag:s7], $0x60  }
0x55: {  	[sflag:s7] =	ssyncset.done $0x0  }
0x56: {  	[sflag:s7] =	ssyncadd.s32 $0xFFFFFFA0  }
0x57: {  	[spmem:s3] =	stream.indirect.scatter.add.f32 [tilespmem:s0], [sflag:$0x8], $0x80, s30, s25, $0xb8;
	[tilespmem:$0x1FA00] =	vst v63  }
0x58: {  	s16 =	simm.s32 $0x480;
	_ =	swait.ge [sflag:s23], $0x3000  }
0x59: {  	s12 =	simm.s32 $0x1E0;
	s9 =	sadd.s32 $0x24, s20;
	[sflag:s23] =	ssyncset.done $0x0  }
0x5a: {  	s17 =	sadd.s32 $0x120, s21;
	s18 =	sadd.s32 $0x24, s19;
	[sflag:s23] =	ssyncadd.s32 $0xFFFFD000  }
0x5b: {  	[tilespmem:s30], [sflag:$0x6] =	stream.linear.gather [hbm4b:s19+s5], $0x60, $0x38;
	[tilespmem:$0x1FA00] =	vst v63  }
.LBB2_2:
0x5c: {  	[tilespmem:s0], [sflag:$0x3] =	stream.indirect.gather [hbm4b:s1+s25], $0x80, s12, s25, $0xb8;
	[tilespmem:$0x1FA00] =	vst v63  }
0x5d: {  	s12 =	smov.u32 s16  }
0x5e: {  	p0 =	sne.s32 s16, $0x9000;
	s16 =	sadd.s32 $0x480, s16;
	_ =	swait.ge [sflag:s31], $0x3000  }
0x5f: {  	[sflag:s31] =	ssyncset.done $0x0  }
0x60: {  	[sflag:s31] =	ssyncadd.s32 $0xFFFFD000  }
0x61: {  	_ =	swait.ge [sflag:s6], $0x60  }
0x62: {  	[sflag:s6] =	ssyncset.done $0x0  }
0x63: {  	[sflag:s6] =	ssyncadd.s32 $0xFFFFFFA0  }
0x64: {  	[spmem:s3] =	stream.indirect.scatter.add.f32 [tilespmem:s26], [sflag:$0x8], $0x80, s24, s25, $0xb8;
	[tilespmem:$0x1FA00] =	vst v63  }
0x65: {  	_ =	swait.ge [sflag:s23], $0x3000  }
0x66: {  	s13 =	sshrl.u32 s17, $0x3;
	[sflag:s23] =	ssyncset.done $0x0  }
0x67: {  	s13 =	sadd.s32 s2, s13;
	s12 =	sshra.s32 s12, $0x2;
	[sflag:s23] =	ssyncadd.s32 $0xFFFFD000  }
0x68: {  	[tilespmem:s24], [sflag:$0x4] =	stream.linear.gather [hbm4b:s13+s5], $0x60, $0x38;
	[tilespmem:$0x1FA00] =	vst v63  }
0x69: {  	s13 =	sadd.s32 $0x120, s12  }
0x6a: {  	[tilespmem:s26], [sflag:$0x1] =	stream.indirect.gather [hbm4b:s1+s25], $0x80, s13, s25, $0xb8;
	[tilespmem:$0x1FA00] =	vst v63  }
0x6b: {  	_ =	swait.ge [sflag:s8], $0x3000  }
0x6c: {  	[sflag:s8] =	ssyncset.done $0x0  }
0x6d: {  	[sflag:s8] =	ssyncadd.s32 $0xFFFFD000  }
0x6e: {  	_ =	swait.ge [sflag:s10], $0x60  }
0x6f: {  	[sflag:s10] =	ssyncset.done $0x0  }
0x70: {  	[sflag:s10] =	ssyncadd.s32 $0xFFFFFFA0  }
0x71: {  	[spmem:s3] =	stream.indirect.scatter.add.f32 [tilespmem:s29], [sflag:$0x8], $0x80, s28, s25, $0xb8;
	[tilespmem:$0x1FA00] =	vst v63  }
0x72: {  	_ =	swait.ge [sflag:s23], $0x3000  }
0x73: {  	[sflag:s23] =	ssyncset.done $0x0  }
0x74: {  	[sflag:s23] =	ssyncadd.s32 $0xFFFFD000  }
0x75: {  	[tilespmem:s28], [sflag:$0x5] =	stream.linear.gather [hbm4b:s9+s5], $0x60, $0x38;
	[tilespmem:$0x1FA00] =	vst v63  }
0x76: {  	s13 =	sadd.s32 $0x180, s12  }
0x77: {  	[tilespmem:s29], [sflag:$0x2] =	stream.indirect.gather [hbm4b:s1+s25], $0x80, s13, s25, $0xb8;
	[tilespmem:$0x1FA00] =	vst v63  }
0x78: {  	_ =	swait.ge [sflag:s11], $0x3000  }
0x79: {  	[sflag:s11] =	ssyncset.done $0x0  }
0x7a: {  	[sflag:s11] =	ssyncadd.s32 $0xFFFFD000  }
0x7b: {  	_ =	swait.ge [sflag:s7], $0x60  }
0x7c: {  	[sflag:s7] =	ssyncset.done $0x0  }
0x7d: {  	[sflag:s7] =	ssyncadd.s32 $0xFFFFFFA0  }
0x7e: {  	[spmem:s3] =	stream.indirect.scatter.add.f32 [tilespmem:s0], [sflag:$0x8], $0x80, s30, s25, $0xb8;
	[tilespmem:$0x1FA00] =	vst v63  }
.Ltmp0:
0x7f: {  	_ =	swait.ge [sflag:s23], $0x3000;
	(pc) =	sbr.rel @p0 .LBB2_2-.Ltmp0, $4  }
0x80: {  	[sflag:s23] =	ssyncset.done $0x0  }
0x81: {  	s17 =	sadd.s32 $0x120, s17;
	[sflag:s23] =	ssyncadd.s32 $0xFFFFD000  }
0x82: {  	[tilespmem:s30], [sflag:$0x6] =	stream.linear.gather [hbm4b:s18+s5], $0x60, $0x38;
	[tilespmem:$0x1FA00] =	vst v63  }
0x83: {  	s12 =	sadd.s32 $0x1E0, s12;
	s9 =	sadd.s32 $0x24, s9;
	s18 =	sadd.s32 $0x24, s18  }
0x84: {  	[tilespmem:s0], [sflag:$0x3] =	stream.indirect.gather [hbm4b:s1+s25], $0x80, s12, s25, $0xb8;
	[tilespmem:$0x1FA00] =	vst v63  }
0x85: {  	_ =	swait.ge [sflag:s31], $0x3000  }
0x86: {  	[sflag:s31] =	ssyncset.done $0x0  }
0x87: {  	[sflag:s31] =	ssyncadd.s32 $0xFFFFD000  }
0x88: {  	_ =	swait.ge [sflag:s6], $0x60  }
0x89: {  	[sflag:s6] =	ssyncset.done $0x0  }
0x8a: {  	[sflag:s6] =	ssyncadd.s32 $0xFFFFFFA0  }
0x8b: {  	[spmem:s3] =	stream.indirect.scatter.add.f32 [tilespmem:s26], [sflag:$0x8], $0x80, s24, s25, $0xb8;
	[tilespmem:$0x1FA00] =	vst v63  }
0x8c: {  	_ =	swait.ge [sflag:s23], $0x3000  }
0x8d: {  	[sflag:s23] =	ssyncset.done $0x0  }
0x8e: {  	s9 =	rddreg [dreg:$0x12];
	[sflag:s23] =	ssyncadd.s32 $0xFFFFD000  }
0x8f: {  	[tilespmem:s24], [sflag:$0x4] =	stream.linear.gather [hbm4b:s9+s5], $0x60, $0x38;
	[tilespmem:$0x1FA00] =	vst v63  }
0x90: {  	s18 =	simm.s32 $0x2640  }
0x91: {  	[tilespmem:s26], [sflag:$0x1] =	stream.indirect.gather [hbm4b:s1+s25], $0x80, s18, s25, $0xb8;
	[tilespmem:$0x1FA00] =	vst v63  }
0x92: {  	_ =	swait.ge [sflag:s8], $0x3000  }
0x93: {  	[sflag:s8] =	ssyncset.done $0x0  }
0x94: {  	[sflag:s8] =	ssyncadd.s32 $0xFFFFD000  }
0x95: {  	_ =	swait.ge [sflag:s10], $0x60  }
0x96: {  	[sflag:s10] =	ssyncset.done $0x0  }
0x97: {  	[sflag:s10] =	ssyncadd.s32 $0xFFFFFFA0  }
0x98: {  	[spmem:s3] =	stream.indirect.scatter.add.f32 [tilespmem:s29], [sflag:$0x8], $0x80, s28, s25, $0xb8;
	[tilespmem:$0x1FA00] =	vst v63  }
0x99: {  	_ =	swait.ge [sflag:s23], $0x3000  }
0x9a: {  	[sflag:s23] =	ssyncset.done $0x0  }
0x9b: {  	s12 =	rddreg [dreg:$0x13];
	[sflag:s23] =	ssyncadd.s32 $0xFFFFD000  }
0x9c: {  	[tilespmem:s28], [sflag:$0x5] =	stream.linear.gather [hbm4b:s12+s5], $0x60, $0x38;
	[tilespmem:$0x1FA00] =	vst v63  }
0x9d: {  	s13 =	simm.s32 $0x26A0  }
0x9e: {  	[tilespmem:s29], [sflag:$0x2] =	stream.indirect.gather [hbm4b:s1+s25], $0x80, s13, s25, $0xb8;
	[tilespmem:$0x1FA00] =	vst v63  }
0x9f: {  	_ =	swait.ge [sflag:s11], $0x3000  }
0xa0: {  	[sflag:s11] =	ssyncset.done $0x0  }
0xa1: {  	[sflag:s11] =	ssyncadd.s32 $0xFFFFD000  }
0xa2: {  	_ =	swait.ge [sflag:s7], $0x60  }
0xa3: {  	[sflag:s7] =	ssyncset.done $0x0  }
0xa4: {  	[sflag:s7] =	ssyncadd.s32 $0xFFFFFFA0  }
0xa5: {  	[spmem:s3] =	stream.indirect.scatter.add.f32 [tilespmem:s0], [sflag:$0x8], $0x80, s30, s25, $0xb8;
	[tilespmem:$0x1FA00] =	vst v63  }
0xa6: {  	_ =	swait.ge [sflag:s23], $0x3000  }
0xa7: {  	[sflag:s23] =	ssyncset.done $0x0  }
0xa8: {  	[sflag:s23] =	ssyncadd.s32 $0xFFFFD000  }
0xa9: {  	_ =	swait.ge [sflag:s31], $0x3000  }
0xaa: {  	[sflag:s31] =	ssyncset.done $0x0  }
0xab: {  	[sflag:s31] =	ssyncadd.s32 $0xFFFFD000  }
0xac: {  	_ =	swait.ge [sflag:s6], $0x60  }
0xad: {  	[sflag:s6] =	ssyncset.done $0x0  }
0xae: {  	[sflag:s6] =	ssyncadd.s32 $0xFFFFFFA0  }
0xaf: {  	[spmem:s3] =	stream.indirect.scatter.add.f32 [tilespmem:s26], [sflag:$0x8], $0x80, s24, s25, $0xb8;
	[tilespmem:$0x1FA00] =	vst v63  }
0xb0: {  	_ =	swait.ge [sflag:s23], $0x3000  }
0xb1: {  	[sflag:s23] =	ssyncset.done $0x0  }
0xb2: {  	[sflag:s23] =	ssyncadd.s32 $0xFFFFD000  }
0xb3: {  	_ =	swait.ge [sflag:s8], $0x3000  }
0xb4: {  	[sflag:s8] =	ssyncset.done $0x0  }
0xb5: {  	[sflag:s8] =	ssyncadd.s32 $0xFFFFD000  }
0xb6: {  	_ =	swait.ge [sflag:s10], $0x60  }
0xb7: {  	[sflag:s10] =	ssyncset.done $0x0  }
0xb8: {  	[sflag:s10] =	ssyncadd.s32 $0xFFFFFFA0  }
0xb9: {  	[spmem:s3] =	stream.indirect.scatter.add.f32 [tilespmem:s29], [sflag:$0x8], $0x80, s28, s25, $0xb8;
	[tilespmem:$0x1FA00] =	vst v63  }
0xba: {  	_ =	swait.ge [sflag:s23], $0x3000  }
0xbb: {  	[sflag:s23] =	ssyncset.done $0x0  }
0xbc: {  	s17 =	simm.s32 $0xB900;
	s16 =	rddreg [dreg:$0xe];
	[sflag:s23] =	ssyncadd.s32 $0xFFFFD000  }
0xbd: {  	[tilespmem:s17], [sflag:$0x8] =	stream.linear.gather [hbm4b:s16+s5], $0x10, $0x38;
	[tilespmem:$0x1FA00] =	vst v63  }
0xbe: {  	_ =	swait.ge [sflag:s23], $0x10  }
0xbf: {  	[sflag:s23] =	ssyncset.done $0x0  }
0xc0: {  	s13 =	simm.s32 $0xB980;
	s18 =	rddreg [dreg:$0xf];
	[sflag:s23] =	ssyncadd.s32 $0xFFFFFFF0  }
0xc1: {  	[tilespmem:s13], [sflag:$0x8] =	stream.linear.gather [hbm4b:s18+s5], $0x10, $0x38;
	[tilespmem:$0x1FA00] =	vst v63  }
0xc2: {  	_ =	swait.ge [sflag:s23], $0x10  }
0xc3: {  	[sflag:s23] =	ssyncset.done $0x0  }
0xc4: {  	[sflag:s23] =	ssyncadd.s32 $0xFFFFFFF0  }
0xc5: {  	[tilespmem:s26], [sflag:$0x7] =	stream.indirect.gather [hbm4b:s1+s14], $0x80, s17, s14, $0xb8;
	[tilespmem:$0x1FA00] =	vst v63  }
0xc6: {  	_ =	swait.ge [sflag:s4], $0x800  }
0xc7: {  	[sflag:s4] =	ssyncset.done $0x0  }
0xc8: {  	[sflag:s4] =	ssyncadd.s32 $0xFFFFF800  }
0xc9: {  	[spmem:s3] =	stream.indirect.scatter.add.f32 [tilespmem:s26], [sflag:$0x8], $0x80, s13, s14, $0xb8;
	[tilespmem:$0x1FA00] =	vst v63  }
0xca: {  	_ =	swait.ge [sflag:s23], $0x800  }
0xcb: {  	[sflag:s23] =	ssyncset.done $0x0  }
0xcc: {  	[sflag:s23] =	ssyncadd.s32 $0xFFFFF800  }
0xcd: {  	[bflag:$0x0] =	sbarrier.arrive $0xFFFF  }
0xce: {  	s16 =	rddreg [dreg:$0x8]  }
0xcf: {  	s17 =	rddreg [dreg:$0x10];
	s9 =	sor.u32 $0x1C08, s16  }
0xd0: {  	[hbm:s17], [sflag:s9] =	dma.local [spmem:s22], $0x2800  }
0xd1: {  	_ =	swait.ge [sflag:s23], $0x2800  }
0xd2: {  	s15 =	sadd.s32 $0x1, s15;
	s18 =	rddreg [dreg:$0x11]  }
0xd3: {  	p0 =	sne.s32 s15, s18  }
.Ltmp1:
0xd4: {  	_ = 	snop;
	(pc) =	sbr.rel @p0 .LBB2_1-.Ltmp1, $3  }
0xd5: {  	_ =	sdelay $0x1  }
0xd6: {  	[sflag:s23] =	ssyncset.done $0x0  }
0xd7: {  	[sflag:s23] =	ssyncadd.s32 $0xFFFFD800  }
0xd8: {  	_ =	sfence.sel $0x180000  }
0xd9: {  	[bflag:$0x0] =	sbarrier.arrive $0xFFFF  }
0xda: {  	_ =	strace $0x90000047  }
0xdb: {  	s0 =	stileid.u32;
	[bflag:$0x2] =	sbarrier.arrive $0xFFFF  }
0xdc: {  	p0 =	sne.s32 s0, $0x0;
	s0 =	rddreg [dreg:$0x6]  }
0xdd: {  	s0 =	sadd.s32 @!p0 $0x100000, s0  }
0xde: {  	[sflag:s0] =	ssyncadd.tile.s32 @!p0 $0x1;
	_ =	shalt  }
.Lfunc_end2:
_tile_overlayer_lowered:
.L_overlay_start_2:
0xdf: {  	(tag) =	ssettag $0x2  }
0xe0: {  	s0 =	rddreg [dreg:$0x0];
	s2 =	stileid.u32  }
0xe1: {  	s1 =	rddreg [dreg:$0x1];
	p0 =	sne.s32 s2, $0x0  }
0xe2: {  	s3 =	rddreg [dreg:$0x2];
	[bflag:$0x3] =	sbarrier.arrive $0xFFFF;
	s2 =	simm.s32 @!p0 $0x1C08  }
0xe3: {  	[timem:s3], [sflag:s2] =	dma.local @!p0 [hbm:s0], s1  }
0xe4: {  	s0 =	simm.s32 @!p0 $0x8  }
0xe5: {  	_ =	swait.ge @!p0 [sflag:s0], s1  }
0xe6: {  	s1 =	ssub.s32 @!p0 $0x0, s1;
	[sflag:s0] =	ssyncset.done @!p0 $0x0  }
0xe7: {  	[sflag:s0] =	ssyncadd.s32 @!p0 s1  }
0xe8: {  	[bflag:$0x3] =	sbarrier.arrive $0xFFFF  }
0xe9: {  	_ =	shalt  }

</sc_bundles>
